<compile_context>
chip_gen: v7x
topology: tpu7x:2x2x1
jax: 0.10.2.dev20260603
libtpu: 0.0.44.dev20260713+nightly
codegen_flags: <defaults>
</compile_context>

<pallas_src>
import functools

import jax
import jax.numpy as jnp
from jax import lax
from jax.experimental import pallas as pl
from jax.experimental.pallas import tpu as pltpu
from jax.experimental.pallas import tpu_sc as plsc


def _kernel_sc(x, pos_table):
    B, S, D = x.shape
    info = plsc.get_sparse_core_info()
    NC, NS, L = info.num_cores, info.num_subcores, info.num_lanes
    NW = NC * NS
    RW = S // NW
    C = 16
    NCH = RW // C
    NI = B * NCH
    NB = 3

    mesh = plsc.VectorSubcoreMesh(core_axis_name="c", subcore_axis_name="s")

    @functools.partial(
        pl.kernel,
        mesh=mesh,
        out_type=jax.ShapeDtypeStruct((B, S, D), jnp.float32),
        compiler_params=pltpu.CompilerParams(use_tc_tiling_on_sc=True),
        scratch_types=[pltpu.VMEM((RW, D), jnp.float32)]
        + [pltpu.VMEM((C, D), jnp.float32) for _ in range(NB)]
        + [pltpu.SemaphoreType.DMA for _ in range(2 * NB + RW // C)],
    )
    def run(x_hbm, pos_hbm, out_hbm, pos_v, *rest):
        bufs = rest[:NB]
        lsems = rest[NB : 2 * NB]
        ssems = rest[2 * NB : 3 * NB]
        psems = rest[3 * NB :]

        wid = lax.axis_index("s") * NC + lax.axis_index("c")
        r0 = wid * RW

        def item_cb(i):
            return i % NCH, i // NCH

        def load(i, k):
            c, b = item_cb(i)
            return pltpu.async_copy(
                x_hbm.at[b, pl.ds(r0 + c * C, C), :], bufs[k], lsems[k]
            )

        def load_pos(c):
            return pltpu.async_copy(
                pos_hbm.at[pl.ds(r0 + c * C, C), :],
                pos_v.at[pl.ds(c * C, C), :],
                psems[c],
            )

        pdescs = [load_pos(0)]
        ldesc = [None] * NB
        sdesc = [None] * NB
        for k in range(2):
            ldesc[k] = load(k, k)
        for cc in range(1, NCH):
            pdescs.append(load_pos(cc))

        def wait_load(i, k, c, b):
            pltpu.make_async_copy(
                x_hbm.at[b, pl.ds(r0 + c * C, C), :], bufs[k], lsems[k]
            ).wait()

        def wait_store(k, c, b):
            pltpu.make_async_copy(
                bufs[k], out_hbm.at[b, pl.ds(r0 + c * C, C), :], ssems[k]
            ).wait()

        def add_chunk(k, c):
            buf = bufs[k]
            pbase = c * C

            @plsc.parallel_loop(0, C * D, L, unroll=8)
            def add_body(j):
                r = j // D
                col = j % D
                plsc.addupdate(
                    buf.at[r, pl.ds(col, L)], pos_v[pbase + r, pl.ds(col, L)]
                )

        def store(i, k, c, b):
            return pltpu.async_copy(
                bufs[k], out_hbm.at[b, pl.ds(r0 + c * C, C), :], ssems[k]
            )

        for i in range(NCH):
            k = i % NB
            c, b = item_cb(i)
            ldesc[k].wait()
            pdescs[c].wait()
            add_chunk(k, c)
            sdesc[k] = store(i, k, c, b)
            ni = i + 2
            nk = ni % NB
            if sdesc[nk] is not None:
                sdesc[nk].wait()
            ldesc[nk] = load(ni, nk)

        NG = (NI - NCH - NB) // NB

        def group(g, carry):
            for t in range(NB):
                i = NCH + NB * g + t
                k = (NCH + t) % NB
                c = i % NCH
                b = i // NCH
                wait_load(i, k, c, b)
                add_chunk(k, c)
                store(i, k, c, b)
                ni = i + 2
                nk = (k + 2) % NB
                wait_store(nk, (i - 1) % NCH, (i - 1) // NCH)
                load(ni, nk)
            return carry

        lax.fori_loop(0, NG, group, 0)

        for i in range(NCH + NB * NG, NI):
            k = i % NB
            c, b = item_cb(i)
            wait_load(i, k, c, b)
            add_chunk(k, c)
            sdesc[k] = store(i, k, c, b)
            ni = i + 2
            if ni < NI:
                nk = ni % NB
                pj = ni - NB
                wait_store(nk, pj % NCH, pj // NCH)
                ldesc[nk] = load(ni, nk)

        for i in range(NI - NB, NI):
            sdesc[i % NB].wait()

    return run(x, pos_table)


def kernel(x, pos_table):
    return _kernel_sc(x, pos_table)

# --- scband reference (transcript-rebuilt; emitter-appended) ---
"""Pipeline reference for scband-positional-encoding-52201032515712 (READ-ONLY COPY).

The authoritative reference and input builder live on the scoring server;
editing this copy changes nothing except your own understanding.
"""

import jax, jax.numpy as jnp
import numpy as np

B, S, D = 4, 2048, 1024
MAX_LEN = 2048

def setup_inputs(seed: int = 0) -> dict:
    key = jax.random.key(seed)
    k1, k2 = jax.random.split(key)
    x = jax.random.normal(k1, (B, S, D), dtype=jnp.float32)
    pos_table = jax.random.normal(k2, (MAX_LEN, D), dtype=jnp.float32) * 0.02
    return {"x": x, "pos_table": pos_table}

def reference(x, pos_table):
    seq_length = x.shape[1]
    positions = jnp.arange(seq_length)
    # embedding lookup: gather rows of the position table
    position_embeddings = jnp.take(pos_table, positions, axis=0)  # [S, D]
    # broadcast over batch (equivalent to expand + add)
    return x + position_embeddings[None, :, :]

if __name__ == "__main__":
    import jax
    _d = setup_inputs()
    print(jax.jit(kernel)(*tuple(_d.values())))

</pallas_src>

<mosaic_0001>
#map = affine_map<(d0, d1) -> (0, 0, 0)>
#map1 = affine_map<(d0, d1) -> (0, 0)>
module attributes {stable_mosaic.version = 14 : i64} {
  func.func @run(%arg0: i32, %arg1: i32, %arg2: memref<4x2048x1024xf32, #tpu.memory_space<hbm>>, %arg3: memref<2048x1024xf32, #tpu.memory_space<hbm>>, %arg4: memref<4x2048x1024xf32, #tpu.memory_space<hbm>>, %arg5: memref<64x1024xf32, #tpu.memory_space<vmem>>, %arg6: memref<16x1024xf32, #tpu.memory_space<vmem>>, %arg7: memref<16x1024xf32, #tpu.memory_space<vmem>>, %arg8: memref<16x1024xf32, #tpu.memory_space<vmem>>, %arg9: memref<!tpu.dma_semaphore, #tpu.memory_space<semaphore_mem>>, %arg10: memref<!tpu.dma_semaphore, #tpu.memory_space<semaphore_mem>>, %arg11: memref<!tpu.dma_semaphore, #tpu.memory_space<semaphore_mem>>, %arg12: memref<!tpu.dma_semaphore, #tpu.memory_space<semaphore_mem>>, %arg13: memref<!tpu.dma_semaphore, #tpu.memory_space<semaphore_mem>>, %arg14: memref<!tpu.dma_semaphore, #tpu.memory_space<semaphore_mem>>, %arg15: memref<!tpu.dma_semaphore, #tpu.memory_space<semaphore_mem>>, %arg16: memref<!tpu.dma_semaphore, #tpu.memory_space<semaphore_mem>>, %arg17: memref<!tpu.dma_semaphore, #tpu.memory_space<semaphore_mem>>, %arg18: memref<!tpu.dma_semaphore, #tpu.memory_space<semaphore_mem>>) attributes {dimension_semantics = [#tpu.dimension_semantics<core_parallel>, #tpu.dimension_semantics<subcore_parallel>], iteration_bounds = array<i64: 2, 16>, scalar_prefetch = 0 : i64, scratch_operands = 14 : i64, tpu.core_type = #tpu.core_type<sc_vector_subcore>, window_params = [{transform_indices = #map}, {transform_indices = #map1}, {transform_indices = #map}]} {
    %mul3A = arith.constant 2 : i32
    %mul3A_0 = arith.muli %arg1, %mul3A : i32
    %add3A = arith.addi %mul3A_0, %arg0 : i32
    %mul3A_1 = arith.constant 64 : i32
    %mul3A_2 = arith.muli %add3A, %mul3A_1 : i32
    %add3A_3 = arith.constant 0 : i32
    %add3A_4 = arith.addi %mul3A_2, %add3A_3 : i32
    %dma_start3A = arith.constant 0 : i32
    %dma_start3A_5 = arith.constant 0 : i32
    %dma_start3A_6 = tpu.memref_slice %arg5[%dma_start3A, %dma_start3A_5] : memref<64x1024xf32, #tpu.memory_space<vmem>> -> memref<16x1024xf32, #tpu.memory_space<vmem>>
    %dma_start3A_7 = arith.constant 0 : i32
    %dma_start3A_8 = tpu.memref_slice %arg3[%add3A_4, %dma_start3A_7] : memref<2048x1024xf32, #tpu.memory_space<hbm>> -> memref<16x1024xf32, #tpu.memory_space<hbm>>
    %dma_start3A_9 = arith.constant 0 : i32
    %dma_start3A_10 = arith.constant 0 : i32
    %dma_start3A_11 = tpu.memref_slice %arg5[%dma_start3A_9, %dma_start3A_10] : memref<64x1024xf32, #tpu.memory_space<vmem>> -> memref<16x1024xf32, #tpu.memory_space<vmem>>
    %dma_start3A_12 = arith.constant 0 : i32
    %dma_start3A_13 = tpu.memref_slice %arg3[%add3A_4, %dma_start3A_12] : memref<2048x1024xf32, #tpu.memory_space<hbm>> -> memref<16x1024xf32, #tpu.memory_space<hbm>>
    tpu.enqueue_dma source(%dma_start3A_13 : memref<16x1024xf32, #tpu.memory_space<hbm>>) target(%dma_start3A_11 : memref<16x1024xf32, #tpu.memory_space<vmem>>) target_semaphore(%arg15 : memref<!tpu.dma_semaphore, #tpu.memory_space<semaphore_mem>>)
    %add3A_14 = arith.constant 0 : i32
    %add3A_15 = arith.addi %mul3A_2, %add3A_14 : i32
    %dma_start3A_16 = arith.constant 0 : i32
    %dma_start3A_17 = arith.constant 0 : i32
    %dma_start3A_18 = tpu.memref_slice %arg2[%dma_start3A_16, %add3A_15, %dma_start3A_17] : memref<4x2048x1024xf32, #tpu.memory_space<hbm>> -> memref<1x16x1024xf32, #tpu.memory_space<hbm>>
    %dma_start3A_19 = tpu.memref_squeeze %dma_start3A_18 : memref<1x16x1024xf32, #tpu.memory_space<hbm>> -> memref<16x1024xf32, #tpu.memory_space<hbm>>
    %dma_start3A_20 = arith.constant 0 : i32
    %dma_start3A_21 = tpu.memref_slice %arg2[%dma_start3A_16, %add3A_15, %dma_start3A_20] : memref<4x2048x1024xf32, #tpu.memory_space<hbm>> -> memref<1x16x1024xf32, #tpu.memory_space<hbm>>
    %dma_start3A_22 = tpu.memref_squeeze %dma_start3A_21 : memref<1x16x1024xf32, #tpu.memory_space<hbm>> -> memref<16x1024xf32, #tpu.memory_space<hbm>>
    tpu.enqueue_dma source(%dma_start3A_22 : memref<16x1024xf32, #tpu.memory_space<hbm>>) target(%arg6 : memref<16x1024xf32, #tpu.memory_space<vmem>>) target_semaphore(%arg9 : memref<!tpu.dma_semaphore, #tpu.memory_space<semaphore_mem>>)
    %add3A_23 = arith.constant 16 : i32
    %add3A_24 = arith.addi %mul3A_2, %add3A_23 : i32
    %dma_start3A_25 = arith.constant 0 : i32
    %dma_start3A_26 = arith.constant 0 : i32
    %dma_start3A_27 = tpu.memref_slice %arg2[%dma_start3A_25, %add3A_24, %dma_start3A_26] : memref<4x2048x1024xf32, #tpu.memory_space<hbm>> -> memref<1x16x1024xf32, #tpu.memory_space<hbm>>
    %dma_start3A_28 = tpu.memref_squeeze %dma_start3A_27 : memref<1x16x1024xf32, #tpu.memory_space<hbm>> -> memref<16x1024xf32, #tpu.memory_space<hbm>>
    %dma_start3A_29 = arith.constant 0 : i32
    %dma_start3A_30 = tpu.memref_slice %arg2[%dma_start3A_25, %add3A_24, %dma_start3A_29] : memref<4x2048x1024xf32, #tpu.memory_space<hbm>> -> memref<1x16x1024xf32, #tpu.memory_space<hbm>>
    %dma_start3A_31 = tpu.memref_squeeze %dma_start3A_30 : memref<1x16x1024xf32, #tpu.memory_space<hbm>> -> memref<16x1024xf32, #tpu.memory_space<hbm>>
    tpu.enqueue_dma source(%dma_start3A_31 : memref<16x1024xf32, #tpu.memory_space<hbm>>) target(%arg7 : memref<16x1024xf32, #tpu.memory_space<vmem>>) target_semaphore(%arg10 : memref<!tpu.dma_semaphore, #tpu.memory_space<semaphore_mem>>)
    %add3A_32 = arith.constant 16 : i32
    %add3A_33 = arith.addi %mul3A_2, %add3A_32 : i32
    %dma_start3A_34 = arith.constant 16 : i32
    %dma_start3A_35 = arith.constant 0 : i32
    %dma_start3A_36 = tpu.memref_slice %arg5[%dma_start3A_34, %dma_start3A_35] : memref<64x1024xf32, #tpu.memory_space<vmem>> -> memref<16x1024xf32, #tpu.memory_space<vmem>>
    %dma_start3A_37 = arith.constant 0 : i32
    %dma_start3A_38 = tpu.memref_slice %arg3[%add3A_33, %dma_start3A_37] : memref<2048x1024xf32, #tpu.memory_space<hbm>> -> memref<16x1024xf32, #tpu.memory_space<hbm>>
    %dma_start3A_39 = arith.constant 16 : i32
    %dma_start3A_40 = arith.constant 0 : i32
    %dma_start3A_41 = tpu.memref_slice %arg5[%dma_start3A_39, %dma_start3A_40] : memref<64x1024xf32, #tpu.memory_space<vmem>> -> memref<16x1024xf32, #tpu.memory_space<vmem>>
    %dma_start3A_42 = arith.constant 0 : i32
    %dma_start3A_43 = tpu.memref_slice %arg3[%add3A_33, %dma_start3A_42] : memref<2048x1024xf32, #tpu.memory_space<hbm>> -> memref<16x1024xf32, #tpu.memory_space<hbm>>
    tpu.enqueue_dma source(%dma_start3A_43 : memref<16x1024xf32, #tpu.memory_space<hbm>>) target(%dma_start3A_41 : memref<16x1024xf32, #tpu.memory_space<vmem>>) target_semaphore(%arg16 : memref<!tpu.dma_semaphore, #tpu.memory_space<semaphore_mem>>)
    %add3A_44 = arith.constant 32 : i32
    %add3A_45 = arith.addi %mul3A_2, %add3A_44 : i32
    %dma_start3A_46 = arith.constant 32 : i32
    %dma_start3A_47 = arith.constant 0 : i32
    %dma_start3A_48 = tpu.memref_slice %arg5[%dma_start3A_46, %dma_start3A_47] : memref<64x1024xf32, #tpu.memory_space<vmem>> -> memref<16x1024xf32, #tpu.memory_space<vmem>>
    %dma_start3A_49 = arith.constant 0 : i32
    %dma_start3A_50 = tpu.memref_slice %arg3[%add3A_45, %dma_start3A_49] : memref<2048x1024xf32, #tpu.memory_space<hbm>> -> memref<16x1024xf32, #tpu.memory_space<hbm>>
    %dma_start3A_51 = arith.constant 32 : i32
    %dma_start3A_52 = arith.constant 0 : i32
    %dma_start3A_53 = tpu.memref_slice %arg5[%dma_start3A_51, %dma_start3A_52] : memref<64x1024xf32, #tpu.memory_space<vmem>> -> memref<16x1024xf32, #tpu.memory_space<vmem>>
    %dma_start3A_54 = arith.constant 0 : i32
    %dma_start3A_55 = tpu.memref_slice %arg3[%add3A_45, %dma_start3A_54] : memref<2048x1024xf32, #tpu.memory_space<hbm>> -> memref<16x1024xf32, #tpu.memory_space<hbm>>
    tpu.enqueue_dma source(%dma_start3A_55 : memref<16x1024xf32, #tpu.memory_space<hbm>>) target(%dma_start3A_53 : memref<16x1024xf32, #tpu.memory_space<vmem>>) target_semaphore(%arg17 : memref<!tpu.dma_semaphore, #tpu.memory_space<semaphore_mem>>)
    %add3A_56 = arith.constant 48 : i32
    %add3A_57 = arith.addi %mul3A_2, %add3A_56 : i32
    %dma_start3A_58 = arith.constant 48 : i32
    %dma_start3A_59 = arith.constant 0 : i32
    %dma_start3A_60 = tpu.memref_slice %arg5[%dma_start3A_58, %dma_start3A_59] : memref<64x1024xf32, #tpu.memory_space<vmem>> -> memref<16x1024xf32, #tpu.memory_space<vmem>>
    %dma_start3A_61 = arith.constant 0 : i32
    %dma_start3A_62 = tpu.memref_slice %arg3[%add3A_57, %dma_start3A_61] : memref<2048x1024xf32, #tpu.memory_space<hbm>> -> memref<16x1024xf32, #tpu.memory_space<hbm>>
    %dma_start3A_63 = arith.constant 48 : i32
    %dma_start3A_64 = arith.constant 0 : i32
    %dma_start3A_65 = tpu.memref_slice %arg5[%dma_start3A_63, %dma_start3A_64] : memref<64x1024xf32, #tpu.memory_space<vmem>> -> memref<16x1024xf32, #tpu.memory_space<vmem>>
    %dma_start3A_66 = arith.constant 0 : i32
    %dma_start3A_67 = tpu.memref_slice %arg3[%add3A_57, %dma_start3A_66] : memref<2048x1024xf32, #tpu.memory_space<hbm>> -> memref<16x1024xf32, #tpu.memory_space<hbm>>
    tpu.enqueue_dma source(%dma_start3A_67 : memref<16x1024xf32, #tpu.memory_space<hbm>>) target(%dma_start3A_65 : memref<16x1024xf32, #tpu.memory_space<vmem>>) target_semaphore(%arg18 : memref<!tpu.dma_semaphore, #tpu.memory_space<semaphore_mem>>)
    %dma_wait3A = arith.constant 0 : i32
    %dma_wait3A_68 = arith.constant 0 : i32
    %dma_wait3A_69 = tpu.memref_slice %arg2[%dma_wait3A, %add3A_15, %dma_wait3A_68] : memref<4x2048x1024xf32, #tpu.memory_space<hbm>> -> memref<1x16x1024xf32, #tpu.memory_space<hbm>>
    %dma_wait3A_70 = tpu.memref_squeeze %dma_wait3A_69 : memref<1x16x1024xf32, #tpu.memory_space<hbm>> -> memref<16x1024xf32, #tpu.memory_space<hbm>>
    %dma_wait3A_71 = arith.constant 0 : i32
    %dma_wait3A_72 = tpu.memref_slice %arg2[%dma_wait3A, %add3A_15, %dma_wait3A_71] : memref<4x2048x1024xf32, #tpu.memory_space<hbm>> -> memref<1x16x1024xf32, #tpu.memory_space<hbm>>
    %dma_wait3A_73 = tpu.memref_squeeze %dma_wait3A_72 : memref<1x16x1024xf32, #tpu.memory_space<hbm>> -> memref<16x1024xf32, #tpu.memory_space<hbm>>
    tpu.wait_dma2 semaphore(%arg9 : memref<!tpu.dma_semaphore, #tpu.memory_space<semaphore_mem>>) src(%dma_wait3A_73 : memref<16x1024xf32, #tpu.memory_space<hbm>>) dst(%arg6 : memref<16x1024xf32, #tpu.memory_space<vmem>>)
    %dma_wait3A_74 = arith.constant 0 : i32
    %dma_wait3A_75 = arith.constant 0 : i32
    %dma_wait3A_76 = tpu.memref_slice %arg5[%dma_wait3A_74, %dma_wait3A_75] : memref<64x1024xf32, #tpu.memory_space<vmem>> -> memref<16x1024xf32, #tpu.memory_space<vmem>>
    %dma_wait3A_77 = arith.constant 0 : i32
    %dma_wait3A_78 = tpu.memref_slice %arg3[%add3A_4, %dma_wait3A_77] : memref<2048x1024xf32, #tpu.memory_space<hbm>> -> memref<16x1024xf32, #tpu.memory_space<hbm>>
    %dma_wait3A_79 = arith.constant 0 : i32
    %dma_wait3A_80 = arith.constant 0 : i32
    %dma_wait3A_81 = tpu.memref_slice %arg5[%dma_wait3A_79, %dma_wait3A_80] : memref<64x1024xf32, #tpu.memory_space<vmem>> -> memref<16x1024xf32, #tpu.memory_space<vmem>>
    %dma_wait3A_82 = arith.constant 0 : i32
    %dma_wait3A_83 = tpu.memref_slice %arg3[%add3A_4, %dma_wait3A_82] : memref<2048x1024xf32, #tpu.memory_space<hbm>> -> memref<16x1024xf32, #tpu.memory_space<hbm>>
    tpu.wait_dma2 semaphore(%arg15 : memref<!tpu.dma_semaphore, #tpu.memory_space<semaphore_mem>>) src(%dma_wait3A_83 : memref<16x1024xf32, #tpu.memory_space<hbm>>) dst(%dma_wait3A_81 : memref<16x1024xf32, #tpu.memory_space<vmem>>)
    %parallel_loop3A = arith.constant 0 : i32
    %parallel_loop3A_84 = arith.constant 16384 : i32
    %parallel_loop3A_85 = arith.constant 16 : i32
    scf.for %parallel_loop3A_346 = %parallel_loop3A to %parallel_loop3A_84 step %parallel_loop3A_85  : i32 {
      %parallel_loop3A_347 = arith.constant 1024 : i32
      %parallel_loop3A_348 = arith.divsi %parallel_loop3A_346, %parallel_loop3A_347 : i32
      %parallel_loop3A_349 = arith.constant 0 : i32
      %parallel_loop3A_350 = arith.cmpi sgt, %parallel_loop3A_346, %parallel_loop3A_349 : i32
      %parallel_loop3A_351 = arith.extui %parallel_loop3A_350 : i1 to i32
      %parallel_loop3A_352 = arith.constant 0 : i32
      %parallel_loop3A_353 = arith.cmpi slt, %parallel_loop3A_346, %parallel_loop3A_352 : i32
      %parallel_loop3A_354 = arith.extui %parallel_loop3A_353 : i1 to i32
      %parallel_loop3A_355 = arith.subi %parallel_loop3A_351, %parallel_loop3A_354 : i32
      %parallel_loop3A_356 = arith.constant 0 : i32
      %parallel_loop3A_357 = arith.cmpi sgt, %parallel_loop3A_347, %parallel_loop3A_356 : i32
      %parallel_loop3A_358 = arith.extui %parallel_loop3A_357 : i1 to i32
      %parallel_loop3A_359 = arith.constant 0 : i32
      %parallel_loop3A_360 = arith.cmpi slt, %parallel_loop3A_347, %parallel_loop3A_359 : i32
      %parallel_loop3A_361 = arith.extui %parallel_loop3A_360 : i1 to i32
      %parallel_loop3A_362 = arith.subi %parallel_loop3A_358, %parallel_loop3A_361 : i32
      %parallel_loop3A_363 = arith.cmpi ne, %parallel_loop3A_355, %parallel_loop3A_362 : i32
      %parallel_loop3A_364 = arith.remsi %parallel_loop3A_346, %parallel_loop3A_347 : i32
      %parallel_loop3A_365 = arith.constant 0 : i32
      %parallel_loop3A_366 = arith.cmpi ne, %parallel_loop3A_364, %parallel_loop3A_365 : i32
      %parallel_loop3A_367 = arith.andi %parallel_loop3A_363, %parallel_loop3A_366 : i1
      %parallel_loop3A_368 = arith.constant 1 : i32
      %parallel_loop3A_369 = arith.subi %parallel_loop3A_348, %parallel_loop3A_368 : i32
      %parallel_loop3A_370 = arith.select %parallel_loop3A_367, %parallel_loop3A_369, %parallel_loop3A_348 : i32
      %parallel_loop3A_371 = arith.constant 1024 : i32
      %parallel_loop3A_372 = arith.constant 0 : i32
      %parallel_loop3A_373 = arith.cmpi eq, %parallel_loop3A_371, %parallel_loop3A_372 : i32
      %parallel_loop3A_374 = arith.constant 1 : i32
      %parallel_loop3A_375 = arith.select %parallel_loop3A_373, %parallel_loop3A_374, %parallel_loop3A_371 : i32
      %parallel_loop3A_376 = arith.remsi %parallel_loop3A_346, %parallel_loop3A_375 : i32
      %parallel_loop3A_377 = arith.constant 0 : i32
      %parallel_loop3A_378 = arith.cmpi ne, %parallel_loop3A_376, %parallel_loop3A_377 : i32
      %parallel_loop3A_379 = arith.constant 0 : i32
      %parallel_loop3A_380 = arith.cmpi slt, %parallel_loop3A_376, %parallel_loop3A_379 : i32
      %parallel_loop3A_381 = arith.constant 0 : i32
      %parallel_loop3A_382 = arith.cmpi slt, %parallel_loop3A_375, %parallel_loop3A_381 : i32
      %parallel_loop3A_383 = arith.xori %parallel_loop3A_380, %parallel_loop3A_382 : i1
      %parallel_loop3A_384 = arith.andi %parallel_loop3A_383, %parallel_loop3A_378 : i1
      %parallel_loop3A_385 = arith.addi %parallel_loop3A_376, %parallel_loop3A_375 : i32
      %parallel_loop3A_386 = arith.select %parallel_loop3A_384, %parallel_loop3A_385, %parallel_loop3A_376 : i32
      %parallel_loop3A_387 = arith.constant 0 : i32
      %parallel_loop3A_388 = arith.addi %parallel_loop3A_387, %parallel_loop3A_370 : i32
      %parallel_loop3A_389 = arith.index_cast %parallel_loop3A_388 : i32 to index
      %parallel_loop3A_390 = arith.index_cast %parallel_loop3A_386 : i32 to index
      %parallel_loop3A_391 = tpu.vector_load %arg5[%parallel_loop3A_389, %parallel_loop3A_390] {strides = array<i32>} : memref<64x1024xf32, #tpu.memory_space<vmem>>, vector<1x16xf32>,
      %parallel_loop3A_392 = vector.shape_cast %parallel_loop3A_391 : vector<1x16xf32> to vector<16xf32>
      %parallel_loop3A_393 = arith.index_cast %parallel_loop3A_370 : i32 to index
      %parallel_loop3A_394 = arith.index_cast %parallel_loop3A_386 : i32 to index
      %parallel_loop3A_395 = tpu.vector_load %arg6[%parallel_loop3A_393, %parallel_loop3A_394] {strides = array<i32>} : memref<16x1024xf32, #tpu.memory_space<vmem>>, vector<1x16xf32>,
      %parallel_loop3A_396 = vector.shape_cast %parallel_loop3A_395 : vector<1x16xf32> to vector<16xf32>
      %parallel_loop3A_397 = vector.shape_cast %parallel_loop3A_392 : vector<16xf32> to vector<1x16xf32>
      tpu.vector_store %arg6[%parallel_loop3A_393, %parallel_loop3A_394], %parallel_loop3A_397 {add = true, strides = array<i32>} : memref<16x1024xf32, #tpu.memory_space<vmem>>, vector<1x16xf32>,
    } {sc.loop_unroll_factor = 8 : i64, sc.parallel_access}
    %add3A_86 = arith.constant 0 : i32
    %add3A_87 = arith.addi %mul3A_2, %add3A_86 : i32
    %dma_start3A_88 = arith.constant 0 : i32
    %dma_start3A_89 = arith.constant 0 : i32
    %dma_start3A_90 = tpu.memref_slice %arg4[%dma_start3A_88, %add3A_87, %dma_start3A_89] : memref<4x2048x1024xf32, #tpu.memory_space<hbm>> -> memref<1x16x1024xf32, #tpu.memory_space<hbm>>
    %dma_start3A_91 = tpu.memref_squeeze %dma_start3A_90 : memref<1x16x1024xf32, #tpu.memory_space<hbm>> -> memref<16x1024xf32, #tpu.memory_space<hbm>>
    %dma_start3A_92 = arith.constant 0 : i32
    %dma_start3A_93 = tpu.memref_slice %arg4[%dma_start3A_88, %add3A_87, %dma_start3A_92] : memref<4x2048x1024xf32, #tpu.memory_space<hbm>> -> memref<1x16x1024xf32, #tpu.memory_space<hbm>>
    %dma_start3A_94 = tpu.memref_squeeze %dma_start3A_93 : memref<1x16x1024xf32, #tpu.memory_space<hbm>> -> memref<16x1024xf32, #tpu.memory_space<hbm>>
    tpu.enqueue_dma source(%arg6 : memref<16x1024xf32, #tpu.memory_space<vmem>>) target(%dma_start3A_94 : memref<16x1024xf32, #tpu.memory_space<hbm>>) target_semaphore(%arg12 : memref<!tpu.dma_semaphore, #tpu.memory_space<semaphore_mem>>)
    %add3A_95 = arith.constant 32 : i32
    %add3A_96 = arith.addi %mul3A_2, %add3A_95 : i32
    %dma_start3A_97 = arith.constant 0 : i32
    %dma_start3A_98 = arith.constant 0 : i32
    %dma_start3A_99 = tpu.memref_slice %arg2[%dma_start3A_97, %add3A_96, %dma_start3A_98] : memref<4x2048x1024xf32, #tpu.memory_space<hbm>> -> memref<1x16x1024xf32, #tpu.memory_space<hbm>>
    %dma_start3A_100 = tpu.memref_squeeze %dma_start3A_99 : memref<1x16x1024xf32, #tpu.memory_space<hbm>> -> memref<16x1024xf32, #tpu.memory_space<hbm>>
    %dma_start3A_101 = arith.constant 0 : i32
    %dma_start3A_102 = tpu.memref_slice %arg2[%dma_start3A_97, %add3A_96, %dma_start3A_101] : memref<4x2048x1024xf32, #tpu.memory_space<hbm>> -> memref<1x16x1024xf32, #tpu.memory_space<hbm>>
    %dma_start3A_103 = tpu.memref_squeeze %dma_start3A_102 : memref<1x16x1024xf32, #tpu.memory_space<hbm>> -> memref<16x1024xf32, #tpu.memory_space<hbm>>
    tpu.enqueue_dma source(%dma_start3A_103 : memref<16x1024xf32, #tpu.memory_space<hbm>>) target(%arg8 : memref<16x1024xf32, #tpu.memory_space<vmem>>) target_semaphore(%arg11 : memref<!tpu.dma_semaphore, #tpu.memory_space<semaphore_mem>>)
    %dma_wait3A_104 = arith.constant 0 : i32
    %dma_wait3A_105 = arith.constant 0 : i32
    %dma_wait3A_106 = tpu.memref_slice %arg2[%dma_wait3A_104, %add3A_24, %dma_wait3A_105] : memref<4x2048x1024xf32, #tpu.memory_space<hbm>> -> memref<1x16x1024xf32, #tpu.memory_space<hbm>>
    %dma_wait3A_107 = tpu.memref_squeeze %dma_wait3A_106 : memref<1x16x1024xf32, #tpu.memory_space<hbm>> -> memref<16x1024xf32, #tpu.memory_space<hbm>>
    %dma_wait3A_108 = arith.constant 0 : i32
    %dma_wait3A_109 = tpu.memref_slice %arg2[%dma_wait3A_104, %add3A_24, %dma_wait3A_108] : memref<4x2048x1024xf32, #tpu.memory_space<hbm>> -> memref<1x16x1024xf32, #tpu.memory_space<hbm>>
    %dma_wait3A_110 = tpu.memref_squeeze %dma_wait3A_109 : memref<1x16x1024xf32, #tpu.memory_space<hbm>> -> memref<16x1024xf32, #tpu.memory_space<hbm>>
    tpu.wait_dma2 semaphore(%arg10 : memref<!tpu.dma_semaphore, #tpu.memory_space<semaphore_mem>>) src(%dma_wait3A_110 : memref<16x1024xf32, #tpu.memory_space<hbm>>) dst(%arg7 : memref<16x1024xf32, #tpu.memory_space<vmem>>)
    %dma_wait3A_111 = arith.constant 16 : i32
    %dma_wait3A_112 = arith.constant 0 : i32
    %dma_wait3A_113 = tpu.memref_slice %arg5[%dma_wait3A_111, %dma_wait3A_112] : memref<64x1024xf32, #tpu.memory_space<vmem>> -> memref<16x1024xf32, #tpu.memory_space<vmem>>
    %dma_wait3A_114 = arith.constant 0 : i32
    %dma_wait3A_115 = tpu.memref_slice %arg3[%add3A_33, %dma_wait3A_114] : memref<2048x1024xf32, #tpu.memory_space<hbm>> -> memref<16x1024xf32, #tpu.memory_space<hbm>>
    %dma_wait3A_116 = arith.constant 16 : i32
    %dma_wait3A_117 = arith.constant 0 : i32
    %dma_wait3A_118 = tpu.memref_slice %arg5[%dma_wait3A_116, %dma_wait3A_117] : memref<64x1024xf32, #tpu.memory_space<vmem>> -> memref<16x1024xf32, #tpu.memory_space<vmem>>
    %dma_wait3A_119 = arith.constant 0 : i32
    %dma_wait3A_120 = tpu.memref_slice %arg3[%add3A_33, %dma_wait3A_119] : memref<2048x1024xf32, #tpu.memory_space<hbm>> -> memref<16x1024xf32, #tpu.memory_space<hbm>>
    tpu.wait_dma2 semaphore(%arg16 : memref<!tpu.dma_semaphore, #tpu.memory_space<semaphore_mem>>) src(%dma_wait3A_120 : memref<16x1024xf32, #tpu.memory_space<hbm>>) dst(%dma_wait3A_118 : memref<16x1024xf32, #tpu.memory_space<vmem>>)
    %parallel_loop3A_121 = arith.constant 0 : i32
    %parallel_loop3A_122 = arith.constant 16384 : i32
    %parallel_loop3A_123 = arith.constant 16 : i32
    scf.for %parallel_loop3A_346 = %parallel_loop3A_121 to %parallel_loop3A_122 step %parallel_loop3A_123  : i32 {
      %parallel_loop3A_347 = arith.constant 1024 : i32
      %parallel_loop3A_348 = arith.divsi %parallel_loop3A_346, %parallel_loop3A_347 : i32
      %parallel_loop3A_349 = arith.constant 0 : i32
      %parallel_loop3A_350 = arith.cmpi sgt, %parallel_loop3A_346, %parallel_loop3A_349 : i32
      %parallel_loop3A_351 = arith.extui %parallel_loop3A_350 : i1 to i32
      %parallel_loop3A_352 = arith.constant 0 : i32
      %parallel_loop3A_353 = arith.cmpi slt, %parallel_loop3A_346, %parallel_loop3A_352 : i32
      %parallel_loop3A_354 = arith.extui %parallel_loop3A_353 : i1 to i32
      %parallel_loop3A_355 = arith.subi %parallel_loop3A_351, %parallel_loop3A_354 : i32
      %parallel_loop3A_356 = arith.constant 0 : i32
      %parallel_loop3A_357 = arith.cmpi sgt, %parallel_loop3A_347, %parallel_loop3A_356 : i32
      %parallel_loop3A_358 = arith.extui %parallel_loop3A_357 : i1 to i32
      %parallel_loop3A_359 = arith.constant 0 : i32
      %parallel_loop3A_360 = arith.cmpi slt, %parallel_loop3A_347, %parallel_loop3A_359 : i32
      %parallel_loop3A_361 = arith.extui %parallel_loop3A_360 : i1 to i32
      %parallel_loop3A_362 = arith.subi %parallel_loop3A_358, %parallel_loop3A_361 : i32
      %parallel_loop3A_363 = arith.cmpi ne, %parallel_loop3A_355, %parallel_loop3A_362 : i32
      %parallel_loop3A_364 = arith.remsi %parallel_loop3A_346, %parallel_loop3A_347 : i32
      %parallel_loop3A_365 = arith.constant 0 : i32
      %parallel_loop3A_366 = arith.cmpi ne, %parallel_loop3A_364, %parallel_loop3A_365 : i32
      %parallel_loop3A_367 = arith.andi %parallel_loop3A_363, %parallel_loop3A_366 : i1
      %parallel_loop3A_368 = arith.constant 1 : i32
      %parallel_loop3A_369 = arith.subi %parallel_loop3A_348, %parallel_loop3A_368 : i32
      %parallel_loop3A_370 = arith.select %parallel_loop3A_367, %parallel_loop3A_369, %parallel_loop3A_348 : i32
      %parallel_loop3A_371 = arith.constant 1024 : i32
      %parallel_loop3A_372 = arith.constant 0 : i32
      %parallel_loop3A_373 = arith.cmpi eq, %parallel_loop3A_371, %parallel_loop3A_372 : i32
      %parallel_loop3A_374 = arith.constant 1 : i32
      %parallel_loop3A_375 = arith.select %parallel_loop3A_373, %parallel_loop3A_374, %parallel_loop3A_371 : i32
      %parallel_loop3A_376 = arith.remsi %parallel_loop3A_346, %parallel_loop3A_375 : i32
      %parallel_loop3A_377 = arith.constant 0 : i32
      %parallel_loop3A_378 = arith.cmpi ne, %parallel_loop3A_376, %parallel_loop3A_377 : i32
      %parallel_loop3A_379 = arith.constant 0 : i32
      %parallel_loop3A_380 = arith.cmpi slt, %parallel_loop3A_376, %parallel_loop3A_379 : i32
      %parallel_loop3A_381 = arith.constant 0 : i32
      %parallel_loop3A_382 = arith.cmpi slt, %parallel_loop3A_375, %parallel_loop3A_381 : i32
      %parallel_loop3A_383 = arith.xori %parallel_loop3A_380, %parallel_loop3A_382 : i1
      %parallel_loop3A_384 = arith.andi %parallel_loop3A_383, %parallel_loop3A_378 : i1
      %parallel_loop3A_385 = arith.addi %parallel_loop3A_376, %parallel_loop3A_375 : i32
      %parallel_loop3A_386 = arith.select %parallel_loop3A_384, %parallel_loop3A_385, %parallel_loop3A_376 : i32
      %parallel_loop3A_387 = arith.constant 16 : i32
      %parallel_loop3A_388 = arith.addi %parallel_loop3A_387, %parallel_loop3A_370 : i32
      %parallel_loop3A_389 = arith.index_cast %parallel_loop3A_388 : i32 to index
      %parallel_loop3A_390 = arith.index_cast %parallel_loop3A_386 : i32 to index
      %parallel_loop3A_391 = tpu.vector_load %arg5[%parallel_loop3A_389, %parallel_loop3A_390] {strides = array<i32>} : memref<64x1024xf32, #tpu.memory_space<vmem>>, vector<1x16xf32>,
      %parallel_loop3A_392 = vector.shape_cast %parallel_loop3A_391 : vector<1x16xf32> to vector<16xf32>
      %parallel_loop3A_393 = arith.index_cast %parallel_loop3A_370 : i32 to index
      %parallel_loop3A_394 = arith.index_cast %parallel_loop3A_386 : i32 to index
      %parallel_loop3A_395 = tpu.vector_load %arg7[%parallel_loop3A_393, %parallel_loop3A_394] {strides = array<i32>} : memref<16x1024xf32, #tpu.memory_space<vmem>>, vector<1x16xf32>,
      %parallel_loop3A_396 = vector.shape_cast %parallel_loop3A_395 : vector<1x16xf32> to vector<16xf32>
      %parallel_loop3A_397 = vector.shape_cast %parallel_loop3A_392 : vector<16xf32> to vector<1x16xf32>
      tpu.vector_store %arg7[%parallel_loop3A_393, %parallel_loop3A_394], %parallel_loop3A_397 {add = true, strides = array<i32>} : memref<16x1024xf32, #tpu.memory_space<vmem>>, vector<1x16xf32>,
    } {sc.loop_unroll_factor = 8 : i64, sc.parallel_access}
    %add3A_124 = arith.constant 16 : i32
    %add3A_125 = arith.addi %mul3A_2, %add3A_124 : i32
    %dma_start3A_126 = arith.constant 0 : i32
    %dma_start3A_127 = arith.constant 0 : i32
    %dma_start3A_128 = tpu.memref_slice %arg4[%dma_start3A_126, %add3A_125, %dma_start3A_127] : memref<4x2048x1024xf32, #tpu.memory_space<hbm>> -> memref<1x16x1024xf32, #tpu.memory_space<hbm>>
    %dma_start3A_129 = tpu.memref_squeeze %dma_start3A_128 : memref<1x16x1024xf32, #tpu.memory_space<hbm>> -> memref<16x1024xf32, #tpu.memory_space<hbm>>
    %dma_start3A_130 = arith.constant 0 : i32
    %dma_start3A_131 = tpu.memref_slice %arg4[%dma_start3A_126, %add3A_125, %dma_start3A_130] : memref<4x2048x1024xf32, #tpu.memory_space<hbm>> -> memref<1x16x1024xf32, #tpu.memory_space<hbm>>
    %dma_start3A_132 = tpu.memref_squeeze %dma_start3A_131 : memref<1x16x1024xf32, #tpu.memory_space<hbm>> -> memref<16x1024xf32, #tpu.memory_space<hbm>>
    tpu.enqueue_dma source(%arg7 : memref<16x1024xf32, #tpu.memory_space<vmem>>) target(%dma_start3A_132 : memref<16x1024xf32, #tpu.memory_space<hbm>>) target_semaphore(%arg13 : memref<!tpu.dma_semaphore, #tpu.memory_space<semaphore_mem>>)
    %dma_wait3A_133 = arith.constant 0 : i32
    %dma_wait3A_134 = arith.constant 0 : i32
    %dma_wait3A_135 = tpu.memref_slice %arg4[%dma_wait3A_133, %add3A_87, %dma_wait3A_134] : memref<4x2048x1024xf32, #tpu.memory_space<hbm>> -> memref<1x16x1024xf32, #tpu.memory_space<hbm>>
    %dma_wait3A_136 = tpu.memref_squeeze %dma_wait3A_135 : memref<1x16x1024xf32, #tpu.memory_space<hbm>> -> memref<16x1024xf32, #tpu.memory_space<hbm>>
    %dma_wait3A_137 = arith.constant 0 : i32
    %dma_wait3A_138 = tpu.memref_slice %arg4[%dma_wait3A_133, %add3A_87, %dma_wait3A_137] : memref<4x2048x1024xf32, #tpu.memory_space<hbm>> -> memref<1x16x1024xf32, #tpu.memory_space<hbm>>
    %dma_wait3A_139 = tpu.memref_squeeze %dma_wait3A_138 : memref<1x16x1024xf32, #tpu.memory_space<hbm>> -> memref<16x1024xf32, #tpu.memory_space<hbm>>
    tpu.wait_dma2 semaphore(%arg12 : memref<!tpu.dma_semaphore, #tpu.memory_space<semaphore_mem>>) src(%arg6 : memref<16x1024xf32, #tpu.memory_space<vmem>>) dst(%dma_wait3A_139 : memref<16x1024xf32, #tpu.memory_space<hbm>>)
    %add3A_140 = arith.constant 48 : i32
    %add3A_141 = arith.addi %mul3A_2, %add3A_140 : i32
    %dma_start3A_142 = arith.constant 0 : i32
    %dma_start3A_143 = arith.constant 0 : i32
    %dma_start3A_144 = tpu.memref_slice %arg2[%dma_start3A_142, %add3A_141, %dma_start3A_143] : memref<4x2048x1024xf32, #tpu.memory_space<hbm>> -> memref<1x16x1024xf32, #tpu.memory_space<hbm>>
    %dma_start3A_145 = tpu.memref_squeeze %dma_start3A_144 : memref<1x16x1024xf32, #tpu.memory_space<hbm>> -> memref<16x1024xf32, #tpu.memory_space<hbm>>
    %dma_start3A_146 = arith.constant 0 : i32
    %dma_start3A_147 = tpu.memref_slice %arg2[%dma_start3A_142, %add3A_141, %dma_start3A_146] : memref<4x2048x1024xf32, #tpu.memory_space<hbm>> -> memref<1x16x1024xf32, #tpu.memory_space<hbm>>
    %dma_start3A_148 = tpu.memref_squeeze %dma_start3A_147 : memref<1x16x1024xf32, #tpu.memory_space<hbm>> -> memref<16x1024xf32, #tpu.memory_space<hbm>>
    tpu.enqueue_dma source(%dma_start3A_148 : memref<16x1024xf32, #tpu.memory_space<hbm>>) target(%arg6 : memref<16x1024xf32, #tpu.memory_space<vmem>>) target_semaphore(%arg9 : memref<!tpu.dma_semaphore, #tpu.memory_space<semaphore_mem>>)
    %dma_wait3A_149 = arith.constant 0 : i32
    %dma_wait3A_150 = arith.constant 0 : i32
    %dma_wait3A_151 = tpu.memref_slice %arg2[%dma_wait3A_149, %add3A_96, %dma_wait3A_150] : memref<4x2048x1024xf32, #tpu.memory_space<hbm>> -> memref<1x16x1024xf32, #tpu.memory_space<hbm>>
    %dma_wait3A_152 = tpu.memref_squeeze %dma_wait3A_151 : memref<1x16x1024xf32, #tpu.memory_space<hbm>> -> memref<16x1024xf32, #tpu.memory_space<hbm>>
    %dma_wait3A_153 = arith.constant 0 : i32
    %dma_wait3A_154 = tpu.memref_slice %arg2[%dma_wait3A_149, %add3A_96, %dma_wait3A_153] : memref<4x2048x1024xf32, #tpu.memory_space<hbm>> -> memref<1x16x1024xf32, #tpu.memory_space<hbm>>
    %dma_wait3A_155 = tpu.memref_squeeze %dma_wait3A_154 : memref<1x16x1024xf32, #tpu.memory_space<hbm>> -> memref<16x1024xf32, #tpu.memory_space<hbm>>
    tpu.wait_dma2 semaphore(%arg11 : memref<!tpu.dma_semaphore, #tpu.memory_space<semaphore_mem>>) src(%dma_wait3A_155 : memref<16x1024xf32, #tpu.memory_space<hbm>>) dst(%arg8 : memref<16x1024xf32, #tpu.memory_space<vmem>>)
    %dma_wait3A_156 = arith.constant 32 : i32
    %dma_wait3A_157 = arith.constant 0 : i32
    %dma_wait3A_158 = tpu.memref_slice %arg5[%dma_wait3A_156, %dma_wait3A_157] : memref<64x1024xf32, #tpu.memory_space<vmem>> -> memref<16x1024xf32, #tpu.memory_space<vmem>>
    %dma_wait3A_159 = arith.constant 0 : i32
    %dma_wait3A_160 = tpu.memref_slice %arg3[%add3A_45, %dma_wait3A_159] : memref<2048x1024xf32, #tpu.memory_space<hbm>> -> memref<16x1024xf32, #tpu.memory_space<hbm>>
    %dma_wait3A_161 = arith.constant 32 : i32
    %dma_wait3A_162 = arith.constant 0 : i32
    %dma_wait3A_163 = tpu.memref_slice %arg5[%dma_wait3A_161, %dma_wait3A_162] : memref<64x1024xf32, #tpu.memory_space<vmem>> -> memref<16x1024xf32, #tpu.memory_space<vmem>>
    %dma_wait3A_164 = arith.constant 0 : i32
    %dma_wait3A_165 = tpu.memref_slice %arg3[%add3A_45, %dma_wait3A_164] : memref<2048x1024xf32, #tpu.memory_space<hbm>> -> memref<16x1024xf32, #tpu.memory_space<hbm>>
    tpu.wait_dma2 semaphore(%arg17 : memref<!tpu.dma_semaphore, #tpu.memory_space<semaphore_mem>>) src(%dma_wait3A_165 : memref<16x1024xf32, #tpu.memory_space<hbm>>) dst(%dma_wait3A_163 : memref<16x1024xf32, #tpu.memory_space<vmem>>)
    %parallel_loop3A_166 = arith.constant 0 : i32
    %parallel_loop3A_167 = arith.constant 16384 : i32
    %parallel_loop3A_168 = arith.constant 16 : i32
    scf.for %parallel_loop3A_346 = %parallel_loop3A_166 to %parallel_loop3A_167 step %parallel_loop3A_168  : i32 {
      %parallel_loop3A_347 = arith.constant 1024 : i32
      %parallel_loop3A_348 = arith.divsi %parallel_loop3A_346, %parallel_loop3A_347 : i32
      %parallel_loop3A_349 = arith.constant 0 : i32
      %parallel_loop3A_350 = arith.cmpi sgt, %parallel_loop3A_346, %parallel_loop3A_349 : i32
      %parallel_loop3A_351 = arith.extui %parallel_loop3A_350 : i1 to i32
      %parallel_loop3A_352 = arith.constant 0 : i32
      %parallel_loop3A_353 = arith.cmpi slt, %parallel_loop3A_346, %parallel_loop3A_352 : i32
      %parallel_loop3A_354 = arith.extui %parallel_loop3A_353 : i1 to i32
      %parallel_loop3A_355 = arith.subi %parallel_loop3A_351, %parallel_loop3A_354 : i32
      %parallel_loop3A_356 = arith.constant 0 : i32
      %parallel_loop3A_357 = arith.cmpi sgt, %parallel_loop3A_347, %parallel_loop3A_356 : i32
      %parallel_loop3A_358 = arith.extui %parallel_loop3A_357 : i1 to i32
      %parallel_loop3A_359 = arith.constant 0 : i32
      %parallel_loop3A_360 = arith.cmpi slt, %parallel_loop3A_347, %parallel_loop3A_359 : i32
      %parallel_loop3A_361 = arith.extui %parallel_loop3A_360 : i1 to i32
      %parallel_loop3A_362 = arith.subi %parallel_loop3A_358, %parallel_loop3A_361 : i32
      %parallel_loop3A_363 = arith.cmpi ne, %parallel_loop3A_355, %parallel_loop3A_362 : i32
      %parallel_loop3A_364 = arith.remsi %parallel_loop3A_346, %parallel_loop3A_347 : i32
      %parallel_loop3A_365 = arith.constant 0 : i32
      %parallel_loop3A_366 = arith.cmpi ne, %parallel_loop3A_364, %parallel_loop3A_365 : i32
      %parallel_loop3A_367 = arith.andi %parallel_loop3A_363, %parallel_loop3A_366 : i1
      %parallel_loop3A_368 = arith.constant 1 : i32
      %parallel_loop3A_369 = arith.subi %parallel_loop3A_348, %parallel_loop3A_368 : i32
      %parallel_loop3A_370 = arith.select %parallel_loop3A_367, %parallel_loop3A_369, %parallel_loop3A_348 : i32
      %parallel_loop3A_371 = arith.constant 1024 : i32
      %parallel_loop3A_372 = arith.constant 0 : i32
      %parallel_loop3A_373 = arith.cmpi eq, %parallel_loop3A_371, %parallel_loop3A_372 : i32
      %parallel_loop3A_374 = arith.constant 1 : i32
      %parallel_loop3A_375 = arith.select %parallel_loop3A_373, %parallel_loop3A_374, %parallel_loop3A_371 : i32
      %parallel_loop3A_376 = arith.remsi %parallel_loop3A_346, %parallel_loop3A_375 : i32
      %parallel_loop3A_377 = arith.constant 0 : i32
      %parallel_loop3A_378 = arith.cmpi ne, %parallel_loop3A_376, %parallel_loop3A_377 : i32
      %parallel_loop3A_379 = arith.constant 0 : i32
      %parallel_loop3A_380 = arith.cmpi slt, %parallel_loop3A_376, %parallel_loop3A_379 : i32
      %parallel_loop3A_381 = arith.constant 0 : i32
      %parallel_loop3A_382 = arith.cmpi slt, %parallel_loop3A_375, %parallel_loop3A_381 : i32
      %parallel_loop3A_383 = arith.xori %parallel_loop3A_380, %parallel_loop3A_382 : i1
      %parallel_loop3A_384 = arith.andi %parallel_loop3A_383, %parallel_loop3A_378 : i1
      %parallel_loop3A_385 = arith.addi %parallel_loop3A_376, %parallel_loop3A_375 : i32
      %parallel_loop3A_386 = arith.select %parallel_loop3A_384, %parallel_loop3A_385, %parallel_loop3A_376 : i32
      %parallel_loop3A_387 = arith.constant 32 : i32
      %parallel_loop3A_388 = arith.addi %parallel_loop3A_387, %parallel_loop3A_370 : i32
      %parallel_loop3A_389 = arith.index_cast %parallel_loop3A_388 : i32 to index
      %parallel_loop3A_390 = arith.index_cast %parallel_loop3A_386 : i32 to index
      %parallel_loop3A_391 = tpu.vector_load %arg5[%parallel_loop3A_389, %parallel_loop3A_390] {strides = array<i32>} : memref<64x1024xf32, #tpu.memory_space<vmem>>, vector<1x16xf32>,
      %parallel_loop3A_392 = vector.shape_cast %parallel_loop3A_391 : vector<1x16xf32> to vector<16xf32>
      %parallel_loop3A_393 = arith.index_cast %parallel_loop3A_370 : i32 to index
      %parallel_loop3A_394 = arith.index_cast %parallel_loop3A_386 : i32 to index
      %parallel_loop3A_395 = tpu.vector_load %arg8[%parallel_loop3A_393, %parallel_loop3A_394] {strides = array<i32>} : memref<16x1024xf32, #tpu.memory_space<vmem>>, vector<1x16xf32>,
      %parallel_loop3A_396 = vector.shape_cast %parallel_loop3A_395 : vector<1x16xf32> to vector<16xf32>
      %parallel_loop3A_397 = vector.shape_cast %parallel_loop3A_392 : vector<16xf32> to vector<1x16xf32>
      tpu.vector_store %arg8[%parallel_loop3A_393, %parallel_loop3A_394], %parallel_loop3A_397 {add = true, strides = array<i32>} : memref<16x1024xf32, #tpu.memory_space<vmem>>, vector<1x16xf32>,
    } {sc.loop_unroll_factor = 8 : i64, sc.parallel_access}
    %add3A_169 = arith.constant 32 : i32
    %add3A_170 = arith.addi %mul3A_2, %add3A_169 : i32
    %dma_start3A_171 = arith.constant 0 : i32
    %dma_start3A_172 = arith.constant 0 : i32
    %dma_start3A_173 = tpu.memref_slice %arg4[%dma_start3A_171, %add3A_170, %dma_start3A_172] : memref<4x2048x1024xf32, #tpu.memory_space<hbm>> -> memref<1x16x1024xf32, #tpu.memory_space<hbm>>
    %dma_start3A_174 = tpu.memref_squeeze %dma_start3A_173 : memref<1x16x1024xf32, #tpu.memory_space<hbm>> -> memref<16x1024xf32, #tpu.memory_space<hbm>>
    %dma_start3A_175 = arith.constant 0 : i32
    %dma_start3A_176 = tpu.memref_slice %arg4[%dma_start3A_171, %add3A_170, %dma_start3A_175] : memref<4x2048x1024xf32, #tpu.memory_space<hbm>> -> memref<1x16x1024xf32, #tpu.memory_space<hbm>>
    %dma_start3A_177 = tpu.memref_squeeze %dma_start3A_176 : memref<1x16x1024xf32, #tpu.memory_space<hbm>> -> memref<16x1024xf32, #tpu.memory_space<hbm>>
    tpu.enqueue_dma source(%arg8 : memref<16x1024xf32, #tpu.memory_space<vmem>>) target(%dma_start3A_177 : memref<16x1024xf32, #tpu.memory_space<hbm>>) target_semaphore(%arg14 : memref<!tpu.dma_semaphore, #tpu.memory_space<semaphore_mem>>)
    %dma_wait3A_178 = arith.constant 0 : i32
    %dma_wait3A_179 = arith.constant 0 : i32
    %dma_wait3A_180 = tpu.memref_slice %arg4[%dma_wait3A_178, %add3A_125, %dma_wait3A_179] : memref<4x2048x1024xf32, #tpu.memory_space<hbm>> -> memref<1x16x1024xf32, #tpu.memory_space<hbm>>
    %dma_wait3A_181 = tpu.memref_squeeze %dma_wait3A_180 : memref<1x16x1024xf32, #tpu.memory_space<hbm>> -> memref<16x1024xf32, #tpu.memory_space<hbm>>
    %dma_wait3A_182 = arith.constant 0 : i32
    %dma_wait3A_183 = tpu.memref_slice %arg4[%dma_wait3A_178, %add3A_125, %dma_wait3A_182] : memref<4x2048x1024xf32, #tpu.memory_space<hbm>> -> memref<1x16x1024xf32, #tpu.memory_space<hbm>>
    %dma_wait3A_184 = tpu.memref_squeeze %dma_wait3A_183 : memref<1x16x1024xf32, #tpu.memory_space<hbm>> -> memref<16x1024xf32, #tpu.memory_space<hbm>>
    tpu.wait_dma2 semaphore(%arg13 : memref<!tpu.dma_semaphore, #tpu.memory_space<semaphore_mem>>) src(%arg7 : memref<16x1024xf32, #tpu.memory_space<vmem>>) dst(%dma_wait3A_184 : memref<16x1024xf32, #tpu.memory_space<hbm>>)
    %add3A_185 = arith.constant 0 : i32
    %add3A_186 = arith.addi %mul3A_2, %add3A_185 : i32
    %dma_start3A_187 = arith.constant 1 : i32
    %dma_start3A_188 = arith.constant 0 : i32
    %dma_start3A_189 = tpu.memref_slice %arg2[%dma_start3A_187, %add3A_186, %dma_start3A_188] : memref<4x2048x1024xf32, #tpu.memory_space<hbm>> -> memref<1x16x1024xf32, #tpu.memory_space<hbm>>
    %dma_start3A_190 = tpu.memref_squeeze %dma_start3A_189 : memref<1x16x1024xf32, #tpu.memory_space<hbm>> -> memref<16x1024xf32, #tpu.memory_space<hbm>>
    %dma_start3A_191 = arith.constant 0 : i32
    %dma_start3A_192 = tpu.memref_slice %arg2[%dma_start3A_187, %add3A_186, %dma_start3A_191] : memref<4x2048x1024xf32, #tpu.memory_space<hbm>> -> memref<1x16x1024xf32, #tpu.memory_space<hbm>>
    %dma_start3A_193 = tpu.memref_squeeze %dma_start3A_192 : memref<1x16x1024xf32, #tpu.memory_space<hbm>> -> memref<16x1024xf32, #tpu.memory_space<hbm>>
    tpu.enqueue_dma source(%dma_start3A_193 : memref<16x1024xf32, #tpu.memory_space<hbm>>) target(%arg7 : memref<16x1024xf32, #tpu.memory_space<vmem>>) target_semaphore(%arg10 : memref<!tpu.dma_semaphore, #tpu.memory_space<semaphore_mem>>)
    %dma_wait3A_194 = arith.constant 0 : i32
    %dma_wait3A_195 = arith.constant 0 : i32
    %dma_wait3A_196 = tpu.memref_slice %arg2[%dma_wait3A_194, %add3A_141, %dma_wait3A_195] : memref<4x2048x1024xf32, #tpu.memory_space<hbm>> -> memref<1x16x1024xf32, #tpu.memory_space<hbm>>
    %dma_wait3A_197 = tpu.memref_squeeze %dma_wait3A_196 : memref<1x16x1024xf32, #tpu.memory_space<hbm>> -> memref<16x1024xf32, #tpu.memory_space<hbm>>
    %dma_wait3A_198 = arith.constant 0 : i32
    %dma_wait3A_199 = tpu.memref_slice %arg2[%dma_wait3A_194, %add3A_141, %dma_wait3A_198] : memref<4x2048x1024xf32, #tpu.memory_space<hbm>> -> memref<1x16x1024xf32, #tpu.memory_space<hbm>>
    %dma_wait3A_200 = tpu.memref_squeeze %dma_wait3A_199 : memref<1x16x1024xf32, #tpu.memory_space<hbm>> -> memref<16x1024xf32, #tpu.memory_space<hbm>>
    tpu.wait_dma2 semaphore(%arg9 : memref<!tpu.dma_semaphore, #tpu.memory_space<semaphore_mem>>) src(%dma_wait3A_200 : memref<16x1024xf32, #tpu.memory_space<hbm>>) dst(%arg6 : memref<16x1024xf32, #tpu.memory_space<vmem>>)
    %dma_wait3A_201 = arith.constant 48 : i32
    %dma_wait3A_202 = arith.constant 0 : i32
    %dma_wait3A_203 = tpu.memref_slice %arg5[%dma_wait3A_201, %dma_wait3A_202] : memref<64x1024xf32, #tpu.memory_space<vmem>> -> memref<16x1024xf32, #tpu.memory_space<vmem>>
    %dma_wait3A_204 = arith.constant 0 : i32
    %dma_wait3A_205 = tpu.memref_slice %arg3[%add3A_57, %dma_wait3A_204] : memref<2048x1024xf32, #tpu.memory_space<hbm>> -> memref<16x1024xf32, #tpu.memory_space<hbm>>
    %dma_wait3A_206 = arith.constant 48 : i32
    %dma_wait3A_207 = arith.constant 0 : i32
    %dma_wait3A_208 = tpu.memref_slice %arg5[%dma_wait3A_206, %dma_wait3A_207] : memref<64x1024xf32, #tpu.memory_space<vmem>> -> memref<16x1024xf32, #tpu.memory_space<vmem>>
    %dma_wait3A_209 = arith.constant 0 : i32
    %dma_wait3A_210 = tpu.memref_slice %arg3[%add3A_57, %dma_wait3A_209] : memref<2048x1024xf32, #tpu.memory_space<hbm>> -> memref<16x1024xf32, #tpu.memory_space<hbm>>
    tpu.wait_dma2 semaphore(%arg18 : memref<!tpu.dma_semaphore, #tpu.memory_space<semaphore_mem>>) src(%dma_wait3A_210 : memref<16x1024xf32, #tpu.memory_space<hbm>>) dst(%dma_wait3A_208 : memref<16x1024xf32, #tpu.memory_space<vmem>>)
    %parallel_loop3A_211 = arith.constant 0 : i32
    %parallel_loop3A_212 = arith.constant 16384 : i32
    %parallel_loop3A_213 = arith.constant 16 : i32
    scf.for %parallel_loop3A_346 = %parallel_loop3A_211 to %parallel_loop3A_212 step %parallel_loop3A_213  : i32 {
      %parallel_loop3A_347 = arith.constant 1024 : i32
      %parallel_loop3A_348 = arith.divsi %parallel_loop3A_346, %parallel_loop3A_347 : i32
      %parallel_loop3A_349 = arith.constant 0 : i32
      %parallel_loop3A_350 = arith.cmpi sgt, %parallel_loop3A_346, %parallel_loop3A_349 : i32
      %parallel_loop3A_351 = arith.extui %parallel_loop3A_350 : i1 to i32
      %parallel_loop3A_352 = arith.constant 0 : i32
      %parallel_loop3A_353 = arith.cmpi slt, %parallel_loop3A_346, %parallel_loop3A_352 : i32
      %parallel_loop3A_354 = arith.extui %parallel_loop3A_353 : i1 to i32
      %parallel_loop3A_355 = arith.subi %parallel_loop3A_351, %parallel_loop3A_354 : i32
      %parallel_loop3A_356 = arith.constant 0 : i32
      %parallel_loop3A_357 = arith.cmpi sgt, %parallel_loop3A_347, %parallel_loop3A_356 : i32
      %parallel_loop3A_358 = arith.extui %parallel_loop3A_357 : i1 to i32
      %parallel_loop3A_359 = arith.constant 0 : i32
      %parallel_loop3A_360 = arith.cmpi slt, %parallel_loop3A_347, %parallel_loop3A_359 : i32
      %parallel_loop3A_361 = arith.extui %parallel_loop3A_360 : i1 to i32
      %parallel_loop3A_362 = arith.subi %parallel_loop3A_358, %parallel_loop3A_361 : i32
      %parallel_loop3A_363 = arith.cmpi ne, %parallel_loop3A_355, %parallel_loop3A_362 : i32
      %parallel_loop3A_364 = arith.remsi %parallel_loop3A_346, %parallel_loop3A_347 : i32
      %parallel_loop3A_365 = arith.constant 0 : i32
      %parallel_loop3A_366 = arith.cmpi ne, %parallel_loop3A_364, %parallel_loop3A_365 : i32
      %parallel_loop3A_367 = arith.andi %parallel_loop3A_363, %parallel_loop3A_366 : i1
      %parallel_loop3A_368 = arith.constant 1 : i32
      %parallel_loop3A_369 = arith.subi %parallel_loop3A_348, %parallel_loop3A_368 : i32
      %parallel_loop3A_370 = arith.select %parallel_loop3A_367, %parallel_loop3A_369, %parallel_loop3A_348 : i32
      %parallel_loop3A_371 = arith.constant 1024 : i32
      %parallel_loop3A_372 = arith.constant 0 : i32
      %parallel_loop3A_373 = arith.cmpi eq, %parallel_loop3A_371, %parallel_loop3A_372 : i32
      %parallel_loop3A_374 = arith.constant 1 : i32
      %parallel_loop3A_375 = arith.select %parallel_loop3A_373, %parallel_loop3A_374, %parallel_loop3A_371 : i32
      %parallel_loop3A_376 = arith.remsi %parallel_loop3A_346, %parallel_loop3A_375 : i32
      %parallel_loop3A_377 = arith.constant 0 : i32
      %parallel_loop3A_378 = arith.cmpi ne, %parallel_loop3A_376, %parallel_loop3A_377 : i32
      %parallel_loop3A_379 = arith.constant 0 : i32
      %parallel_loop3A_380 = arith.cmpi slt, %parallel_loop3A_376, %parallel_loop3A_379 : i32
      %parallel_loop3A_381 = arith.constant 0 : i32
      %parallel_loop3A_382 = arith.cmpi slt, %parallel_loop3A_375, %parallel_loop3A_381 : i32
      %parallel_loop3A_383 = arith.xori %parallel_loop3A_380, %parallel_loop3A_382 : i1
      %parallel_loop3A_384 = arith.andi %parallel_loop3A_383, %parallel_loop3A_378 : i1
      %parallel_loop3A_385 = arith.addi %parallel_loop3A_376, %parallel_loop3A_375 : i32
      %parallel_loop3A_386 = arith.select %parallel_loop3A_384, %parallel_loop3A_385, %parallel_loop3A_376 : i32
      %parallel_loop3A_387 = arith.constant 48 : i32
      %parallel_loop3A_388 = arith.addi %parallel_loop3A_387, %parallel_loop3A_370 : i32
      %parallel_loop3A_389 = arith.index_cast %parallel_loop3A_388 : i32 to index
      %parallel_loop3A_390 = arith.index_cast %parallel_loop3A_386 : i32 to index
      %parallel_loop3A_391 = tpu.vector_load %arg5[%parallel_loop3A_389, %parallel_loop3A_390] {strides = array<i32>} : memref<64x1024xf32, #tpu.memory_space<vmem>>, vector<1x16xf32>,
      %parallel_loop3A_392 = vector.shape_cast %parallel_loop3A_391 : vector<1x16xf32> to vector<16xf32>
      %parallel_loop3A_393 = arith.index_cast %parallel_loop3A_370 : i32 to index
      %parallel_loop3A_394 = arith.index_cast %parallel_loop3A_386 : i32 to index
      %parallel_loop3A_395 = tpu.vector_load %arg6[%parallel_loop3A_393, %parallel_loop3A_394] {strides = array<i32>} : memref<16x1024xf32, #tpu.memory_space<vmem>>, vector<1x16xf32>,
      %parallel_loop3A_396 = vector.shape_cast %parallel_loop3A_395 : vector<1x16xf32> to vector<16xf32>
      %parallel_loop3A_397 = vector.shape_cast %parallel_loop3A_392 : vector<16xf32> to vector<1x16xf32>
      tpu.vector_store %arg6[%parallel_loop3A_393, %parallel_loop3A_394], %parallel_loop3A_397 {add = true, strides = array<i32>} : memref<16x1024xf32, #tpu.memory_space<vmem>>, vector<1x16xf32>,
    } {sc.loop_unroll_factor = 8 : i64, sc.parallel_access}
    %add3A_214 = arith.constant 48 : i32
    %add3A_215 = arith.addi %mul3A_2, %add3A_214 : i32
    %dma_start3A_216 = arith.constant 0 : i32
    %dma_start3A_217 = arith.constant 0 : i32
    %dma_start3A_218 = tpu.memref_slice %arg4[%dma_start3A_216, %add3A_215, %dma_start3A_217] : memref<4x2048x1024xf32, #tpu.memory_space<hbm>> -> memref<1x16x1024xf32, #tpu.memory_space<hbm>>
    %dma_start3A_219 = tpu.memref_squeeze %dma_start3A_218 : memref<1x16x1024xf32, #tpu.memory_space<hbm>> -> memref<16x1024xf32, #tpu.memory_space<hbm>>
    %dma_start3A_220 = arith.constant 0 : i32
    %dma_start3A_221 = tpu.memref_slice %arg4[%dma_start3A_216, %add3A_215, %dma_start3A_220] : memref<4x2048x1024xf32, #tpu.memory_space<hbm>> -> memref<1x16x1024xf32, #tpu.memory_space<hbm>>
    %dma_start3A_222 = tpu.memref_squeeze %dma_start3A_221 : memref<1x16x1024xf32, #tpu.memory_space<hbm>> -> memref<16x1024xf32, #tpu.memory_space<hbm>>
    tpu.enqueue_dma source(%arg6 : memref<16x1024xf32, #tpu.memory_space<vmem>>) target(%dma_start3A_222 : memref<16x1024xf32, #tpu.memory_space<hbm>>) target_semaphore(%arg12 : memref<!tpu.dma_semaphore, #tpu.memory_space<semaphore_mem>>)
    %dma_wait3A_223 = arith.constant 0 : i32
    %dma_wait3A_224 = arith.constant 0 : i32
    %dma_wait3A_225 = tpu.memref_slice %arg4[%dma_wait3A_223, %add3A_170, %dma_wait3A_224] : memref<4x2048x1024xf32, #tpu.memory_space<hbm>> -> memref<1x16x1024xf32, #tpu.memory_space<hbm>>
    %dma_wait3A_226 = tpu.memref_squeeze %dma_wait3A_225 : memref<1x16x1024xf32, #tpu.memory_space<hbm>> -> memref<16x1024xf32, #tpu.memory_space<hbm>>
    %dma_wait3A_227 = arith.constant 0 : i32
    %dma_wait3A_228 = tpu.memref_slice %arg4[%dma_wait3A_223, %add3A_170, %dma_wait3A_227] : memref<4x2048x1024xf32, #tpu.memory_space<hbm>> -> memref<1x16x1024xf32, #tpu.memory_space<hbm>>
    %dma_wait3A_229 = tpu.memref_squeeze %dma_wait3A_228 : memref<1x16x1024xf32, #tpu.memory_space<hbm>> -> memref<16x1024xf32, #tpu.memory_space<hbm>>
    tpu.wait_dma2 semaphore(%arg14 : memref<!tpu.dma_semaphore, #tpu.memory_space<semaphore_mem>>) src(%arg8 : memref<16x1024xf32, #tpu.memory_space<vmem>>) dst(%dma_wait3A_229 : memref<16x1024xf32, #tpu.memory_space<hbm>>)
    %add3A_230 = arith.constant 16 : i32
    %add3A_231 = arith.addi %mul3A_2, %add3A_230 : i32
    %dma_start3A_232 = arith.constant 1 : i32
    %dma_start3A_233 = arith.constant 0 : i32
    %dma_start3A_234 = tpu.memref_slice %arg2[%dma_start3A_232, %add3A_231, %dma_start3A_233] : memref<4x2048x1024xf32, #tpu.memory_space<hbm>> -> memref<1x16x1024xf32, #tpu.memory_space<hbm>>
    %dma_start3A_235 = tpu.memref_squeeze %dma_start3A_234 : memref<1x16x1024xf32, #tpu.memory_space<hbm>> -> memref<16x1024xf32, #tpu.memory_space<hbm>>
    %dma_start3A_236 = arith.constant 0 : i32
    %dma_start3A_237 = tpu.memref_slice %arg2[%dma_start3A_232, %add3A_231, %dma_start3A_236] : memref<4x2048x1024xf32, #tpu.memory_space<hbm>> -> memref<1x16x1024xf32, #tpu.memory_space<hbm>>
    %dma_start3A_238 = tpu.memref_squeeze %dma_start3A_237 : memref<1x16x1024xf32, #tpu.memory_space<hbm>> -> memref<16x1024xf32, #tpu.memory_space<hbm>>
    tpu.enqueue_dma source(%dma_start3A_238 : memref<16x1024xf32, #tpu.memory_space<hbm>>) target(%arg8 : memref<16x1024xf32, #tpu.memory_space<vmem>>) target_semaphore(%arg11 : memref<!tpu.dma_semaphore, #tpu.memory_space<semaphore_mem>>)
    %scan3A = arith.constant 0 : i32
    %scan3A_239 = arith.constant 0 : i32
    %scan3A_240 = arith.constant 3 : i32
    %scan3A_241 = arith.addi %scan3A_239, %scan3A_240 : i32
    %scan3A_242 = arith.constant 1 : i32
    scf.for %scan3A_346 = %scan3A_239 to %scan3A_241 step %scan3A_242  : i32 {
      %mul3A_347 = arith.constant 3 : i32
      %mul3A_348 = arith.muli %mul3A_347, %scan3A_346 : i32
      %add3A_349 = arith.constant 4 : i32
      %add3A_350 = arith.addi %add3A_349, %mul3A_348 : i32
      %add3A_351 = arith.constant 0 : i32
      %add3A_352 = arith.addi %add3A_350, %add3A_351 : i32
      %jit3A = arith.constant 4 : i32
      %eq3A = arith.constant 0 : i32
      %eq3A_353 = arith.cmpi eq, %jit3A, %eq3A : i32
      %jit3A_354 = arith.constant 1 : i32
      %select_n3A = arith.select %eq3A_353, %jit3A_354, %jit3A : i32
      %rem3A = arith.remsi %add3A_352, %select_n3A : i32
      %ne3A = arith.constant 0 : i32
      %ne3A_355 = arith.cmpi ne, %rem3A, %ne3A : i32
      %lt3A = arith.constant 0 : i32
      %lt3A_356 = arith.cmpi slt, %rem3A, %lt3A : i32
      %lt3A_357 = arith.constant 0 : i32
      %lt3A_358 = arith.cmpi slt, %select_n3A, %lt3A_357 : i32
      %ne3A_359 = arith.xori %lt3A_356, %lt3A_358 : i1
      %and3A = arith.andi %ne3A_359, %ne3A_355 : i1
      %add3A_360 = arith.addi %rem3A, %select_n3A : i32
      %select_n3A_361 = arith.select %and3A, %add3A_360, %rem3A : i32
      %jit3A_362 = arith.constant 4 : i32
      %div3A = arith.divsi %add3A_352, %jit3A_362 : i32
      %sign3A = arith.constant 0 : i32
      %sign3A_363 = arith.cmpi sgt, %add3A_352, %sign3A : i32
      %sign3A_364 = arith.extui %sign3A_363 : i1 to i32
      %sign3A_365 = arith.constant 0 : i32
      %sign3A_366 = arith.cmpi slt, %add3A_352, %sign3A_365 : i32
      %sign3A_367 = arith.extui %sign3A_366 : i1 to i32
      %sign3A_368 = arith.subi %sign3A_364, %sign3A_367 : i32
      %sign3A_369 = arith.constant 0 : i32
      %sign3A_370 = arith.cmpi sgt, %jit3A_362, %sign3A_369 : i32
      %sign3A_371 = arith.extui %sign3A_370 : i1 to i32
      %sign3A_372 = arith.constant 0 : i32
      %sign3A_373 = arith.cmpi slt, %jit3A_362, %sign3A_372 : i32
      %sign3A_374 = arith.extui %sign3A_373 : i1 to i32
      %sign3A_375 = arith.subi %sign3A_371, %sign3A_374 : i32
      %ne3A_376 = arith.cmpi ne, %sign3A_368, %sign3A_375 : i32
      %rem3A_377 = arith.remsi %add3A_352, %jit3A_362 : i32
      %ne3A_378 = arith.constant 0 : i32
      %ne3A_379 = arith.cmpi ne, %rem3A_377, %ne3A_378 : i32
      %and3A_380 = arith.andi %ne3A_376, %ne3A_379 : i1
      %sub3A = arith.constant 1 : i32
      %sub3A_381 = arith.subi %div3A, %sub3A : i32
      %select_n3A_382 = arith.select %and3A_380, %sub3A_381, %div3A : i32
      %mul3A_383 = arith.constant 16 : i32
      %mul3A_384 = arith.muli %select_n3A_361, %mul3A_383 : i32
      %add3A_385 = arith.addi %mul3A_2, %mul3A_384 : i32
      %dma_wait3A_386 = arith.constant 0 : i32
      %dma_wait3A_387 = tpu.memref_slice %arg2[%select_n3A_382, %add3A_385, %dma_wait3A_386] : memref<4x2048x1024xf32, #tpu.memory_space<hbm>> -> memref<1x16x1024xf32, #tpu.memory_space<hbm>>
      %dma_wait3A_388 = tpu.memref_squeeze %dma_wait3A_387 : memref<1x16x1024xf32, #tpu.memory_space<hbm>> -> memref<16x1024xf32, #tpu.memory_space<hbm>>
      %dma_wait3A_389 = arith.constant 0 : i32
      %dma_wait3A_390 = tpu.memref_slice %arg2[%select_n3A_382, %add3A_385, %dma_wait3A_389] : memref<4x2048x1024xf32, #tpu.memory_space<hbm>> -> memref<1x16x1024xf32, #tpu.memory_space<hbm>>
      %dma_wait3A_391 = tpu.memref_squeeze %dma_wait3A_390 : memref<1x16x1024xf32, #tpu.memory_space<hbm>> -> memref<16x1024xf32, #tpu.memory_space<hbm>>
      tpu.wait_dma2 semaphore(%arg10 : memref<!tpu.dma_semaphore, #tpu.memory_space<semaphore_mem>>) src(%dma_wait3A_391 : memref<16x1024xf32, #tpu.memory_space<hbm>>) dst(%arg7 : memref<16x1024xf32, #tpu.memory_space<vmem>>)
      %mul3A_392 = arith.constant 16 : i32
      %mul3A_393 = arith.muli %select_n3A_361, %mul3A_392 : i32
      %parallel_loop3A_394 = arith.constant 0 : i32
      %parallel_loop3A_395 = arith.constant 16384 : i32
      %parallel_loop3A_396 = arith.constant 16 : i32
      scf.for %parallel_loop3A_856 = %parallel_loop3A_394 to %parallel_loop3A_395 step %parallel_loop3A_396  : i32 {
        %parallel_loop3A_857 = arith.constant 1024 : i32
        %parallel_loop3A_858 = arith.divsi %parallel_loop3A_856, %parallel_loop3A_857 : i32
        %parallel_loop3A_859 = arith.constant 0 : i32
        %parallel_loop3A_860 = arith.cmpi sgt, %parallel_loop3A_856, %parallel_loop3A_859 : i32
        %parallel_loop3A_861 = arith.extui %parallel_loop3A_860 : i1 to i32
        %parallel_loop3A_862 = arith.constant 0 : i32
        %parallel_loop3A_863 = arith.cmpi slt, %parallel_loop3A_856, %parallel_loop3A_862 : i32
        %parallel_loop3A_864 = arith.extui %parallel_loop3A_863 : i1 to i32
        %parallel_loop3A_865 = arith.subi %parallel_loop3A_861, %parallel_loop3A_864 : i32
        %parallel_loop3A_866 = arith.constant 0 : i32
        %parallel_loop3A_867 = arith.cmpi sgt, %parallel_loop3A_857, %parallel_loop3A_866 : i32
        %parallel_loop3A_868 = arith.extui %parallel_loop3A_867 : i1 to i32
        %parallel_loop3A_869 = arith.constant 0 : i32
        %parallel_loop3A_870 = arith.cmpi slt, %parallel_loop3A_857, %parallel_loop3A_869 : i32
        %parallel_loop3A_871 = arith.extui %parallel_loop3A_870 : i1 to i32
        %parallel_loop3A_872 = arith.subi %parallel_loop3A_868, %parallel_loop3A_871 : i32
        %parallel_loop3A_873 = arith.cmpi ne, %parallel_loop3A_865, %parallel_loop3A_872 : i32
        %parallel_loop3A_874 = arith.remsi %parallel_loop3A_856, %parallel_loop3A_857 : i32
        %parallel_loop3A_875 = arith.constant 0 : i32
        %parallel_loop3A_876 = arith.cmpi ne, %parallel_loop3A_874, %parallel_loop3A_875 : i32
        %parallel_loop3A_877 = arith.andi %parallel_loop3A_873, %parallel_loop3A_876 : i1
        %parallel_loop3A_878 = arith.constant 1 : i32
        %parallel_loop3A_879 = arith.subi %parallel_loop3A_858, %parallel_loop3A_878 : i32
        %parallel_loop3A_880 = arith.select %parallel_loop3A_877, %parallel_loop3A_879, %parallel_loop3A_858 : i32
        %parallel_loop3A_881 = arith.constant 1024 : i32
        %parallel_loop3A_882 = arith.constant 0 : i32
        %parallel_loop3A_883 = arith.cmpi eq, %parallel_loop3A_881, %parallel_loop3A_882 : i32
        %parallel_loop3A_884 = arith.constant 1 : i32
        %parallel_loop3A_885 = arith.select %parallel_loop3A_883, %parallel_loop3A_884, %parallel_loop3A_881 : i32
        %parallel_loop3A_886 = arith.remsi %parallel_loop3A_856, %parallel_loop3A_885 : i32
        %parallel_loop3A_887 = arith.constant 0 : i32
        %parallel_loop3A_888 = arith.cmpi ne, %parallel_loop3A_886, %parallel_loop3A_887 : i32
        %parallel_loop3A_889 = arith.constant 0 : i32
        %parallel_loop3A_890 = arith.cmpi slt, %parallel_loop3A_886, %parallel_loop3A_889 : i32
        %parallel_loop3A_891 = arith.constant 0 : i32
        %parallel_loop3A_892 = arith.cmpi slt, %parallel_loop3A_885, %parallel_loop3A_891 : i32
        %parallel_loop3A_893 = arith.xori %parallel_loop3A_890, %parallel_loop3A_892 : i1
        %parallel_loop3A_894 = arith.andi %parallel_loop3A_893, %parallel_loop3A_888 : i1
        %parallel_loop3A_895 = arith.addi %parallel_loop3A_886, %parallel_loop3A_885 : i32
        %parallel_loop3A_896 = arith.select %parallel_loop3A_894, %parallel_loop3A_895, %parallel_loop3A_886 : i32
        %parallel_loop3A_897 = arith.addi %mul3A_393, %parallel_loop3A_880 : i32
        %parallel_loop3A_898 = arith.index_cast %parallel_loop3A_897 : i32 to index
        %parallel_loop3A_899 = arith.index_cast %parallel_loop3A_896 : i32 to index
        %parallel_loop3A_900 = tpu.vector_load %arg5[%parallel_loop3A_898, %parallel_loop3A_899] {strides = array<i32>} : memref<64x1024xf32, #tpu.memory_space<vmem>>, vector<1x16xf32>,
        %parallel_loop3A_901 = vector.shape_cast %parallel_loop3A_900 : vector<1x16xf32> to vector<16xf32>
        %parallel_loop3A_902 = arith.index_cast %parallel_loop3A_880 : i32 to index
        %parallel_loop3A_903 = arith.index_cast %parallel_loop3A_896 : i32 to index
        %parallel_loop3A_904 = tpu.vector_load %arg7[%parallel_loop3A_902, %parallel_loop3A_903] {strides = array<i32>} : memref<16x1024xf32, #tpu.memory_space<vmem>>, vector<1x16xf32>,
        %parallel_loop3A_905 = vector.shape_cast %parallel_loop3A_904 : vector<1x16xf32> to vector<16xf32>
        %parallel_loop3A_906 = vector.shape_cast %parallel_loop3A_901 : vector<16xf32> to vector<1x16xf32>
        tpu.vector_store %arg7[%parallel_loop3A_902, %parallel_loop3A_903], %parallel_loop3A_906 {add = true, strides = array<i32>} : memref<16x1024xf32, #tpu.memory_space<vmem>>, vector<1x16xf32>,
      } {sc.loop_unroll_factor = 8 : i64, sc.parallel_access}
      %mul3A_397 = arith.constant 16 : i32
      %mul3A_398 = arith.muli %select_n3A_361, %mul3A_397 : i32
      %add3A_399 = arith.addi %mul3A_2, %mul3A_398 : i32
      %dma_start3A_400 = arith.constant 0 : i32
      %dma_start3A_401 = tpu.memref_slice %arg4[%select_n3A_382, %add3A_399, %dma_start3A_400] : memref<4x2048x1024xf32, #tpu.memory_space<hbm>> -> memref<1x16x1024xf32, #tpu.memory_space<hbm>>
      %dma_start3A_402 = tpu.memref_squeeze %dma_start3A_401 : memref<1x16x1024xf32, #tpu.memory_space<hbm>> -> memref<16x1024xf32, #tpu.memory_space<hbm>>
      %dma_start3A_403 = arith.constant 0 : i32
      %dma_start3A_404 = tpu.memref_slice %arg4[%select_n3A_382, %add3A_399, %dma_start3A_403] : memref<4x2048x1024xf32, #tpu.memory_space<hbm>> -> memref<1x16x1024xf32, #tpu.memory_space<hbm>>
      %dma_start3A_405 = tpu.memref_squeeze %dma_start3A_404 : memref<1x16x1024xf32, #tpu.memory_space<hbm>> -> memref<16x1024xf32, #tpu.memory_space<hbm>>
      tpu.enqueue_dma source(%arg7 : memref<16x1024xf32, #tpu.memory_space<vmem>>) target(%dma_start3A_405 : memref<16x1024xf32, #tpu.memory_space<hbm>>) target_semaphore(%arg13 : memref<!tpu.dma_semaphore, #tpu.memory_space<semaphore_mem>>)
      %add3A_406 = arith.constant 2 : i32
      %add3A_407 = arith.addi %add3A_352, %add3A_406 : i32
      %sub3A_408 = arith.constant 1 : i32
      %sub3A_409 = arith.subi %add3A_352, %sub3A_408 : i32
      %jit3A_410 = arith.constant 4 : i32
      %eq3A_411 = arith.constant 0 : i32
      %eq3A_412 = arith.cmpi eq, %jit3A_410, %eq3A_411 : i32
      %jit3A_413 = arith.constant 1 : i32
      %select_n3A_414 = arith.select %eq3A_412, %jit3A_413, %jit3A_410 : i32
      %rem3A_415 = arith.remsi %sub3A_409, %select_n3A_414 : i32
      %ne3A_416 = arith.constant 0 : i32
      %ne3A_417 = arith.cmpi ne, %rem3A_415, %ne3A_416 : i32
      %lt3A_418 = arith.constant 0 : i32
      %lt3A_419 = arith.cmpi slt, %rem3A_415, %lt3A_418 : i32
      %lt3A_420 = arith.constant 0 : i32
      %lt3A_421 = arith.cmpi slt, %select_n3A_414, %lt3A_420 : i32
      %ne3A_422 = arith.xori %lt3A_419, %lt3A_421 : i1
      %and3A_423 = arith.andi %ne3A_422, %ne3A_417 : i1
      %add3A_424 = arith.addi %rem3A_415, %select_n3A_414 : i32
      %select_n3A_425 = arith.select %and3A_423, %add3A_424, %rem3A_415 : i32
      %sub3A_426 = arith.constant 1 : i32
      %sub3A_427 = arith.subi %add3A_352, %sub3A_426 : i32
      %jit3A_428 = arith.constant 4 : i32
      %div3A_429 = arith.divsi %sub3A_427, %jit3A_428 : i32
      %sign3A_430 = arith.constant 0 : i32
      %sign3A_431 = arith.cmpi sgt, %sub3A_427, %sign3A_430 : i32
      %sign3A_432 = arith.extui %sign3A_431 : i1 to i32
      %sign3A_433 = arith.constant 0 : i32
      %sign3A_434 = arith.cmpi slt, %sub3A_427, %sign3A_433 : i32
      %sign3A_435 = arith.extui %sign3A_434 : i1 to i32
      %sign3A_436 = arith.subi %sign3A_432, %sign3A_435 : i32
      %sign3A_437 = arith.constant 0 : i32
      %sign3A_438 = arith.cmpi sgt, %jit3A_428, %sign3A_437 : i32
      %sign3A_439 = arith.extui %sign3A_438 : i1 to i32
      %sign3A_440 = arith.constant 0 : i32
      %sign3A_441 = arith.cmpi slt, %jit3A_428, %sign3A_440 : i32
      %sign3A_442 = arith.extui %sign3A_441 : i1 to i32
      %sign3A_443 = arith.subi %sign3A_439, %sign3A_442 : i32
      %ne3A_444 = arith.cmpi ne, %sign3A_436, %sign3A_443 : i32
      %rem3A_445 = arith.remsi %sub3A_427, %jit3A_428 : i32
      %ne3A_446 = arith.constant 0 : i32
      %ne3A_447 = arith.cmpi ne, %rem3A_445, %ne3A_446 : i32
      %and3A_448 = arith.andi %ne3A_444, %ne3A_447 : i1
      %sub3A_449 = arith.constant 1 : i32
      %sub3A_450 = arith.subi %div3A_429, %sub3A_449 : i32
      %select_n3A_451 = arith.select %and3A_448, %sub3A_450, %div3A_429 : i32
      %mul3A_452 = arith.constant 16 : i32
      %mul3A_453 = arith.muli %select_n3A_425, %mul3A_452 : i32
      %add3A_454 = arith.addi %mul3A_2, %mul3A_453 : i32
      %dma_wait3A_455 = arith.constant 0 : i32
      %dma_wait3A_456 = tpu.memref_slice %arg4[%select_n3A_451, %add3A_454, %dma_wait3A_455] : memref<4x2048x1024xf32, #tpu.memory_space<hbm>> -> memref<1x16x1024xf32, #tpu.memory_space<hbm>>
      %dma_wait3A_457 = tpu.memref_squeeze %dma_wait3A_456 : memref<1x16x1024xf32, #tpu.memory_space<hbm>> -> memref<16x1024xf32, #tpu.memory_space<hbm>>
      %dma_wait3A_458 = arith.constant 0 : i32
      %dma_wait3A_459 = tpu.memref_slice %arg4[%select_n3A_451, %add3A_454, %dma_wait3A_458] : memref<4x2048x1024xf32, #tpu.memory_space<hbm>> -> memref<1x16x1024xf32, #tpu.memory_space<hbm>>
      %dma_wait3A_460 = tpu.memref_squeeze %dma_wait3A_459 : memref<1x16x1024xf32, #tpu.memory_space<hbm>> -> memref<16x1024xf32, #tpu.memory_space<hbm>>
      tpu.wait_dma2 semaphore(%arg12 : memref<!tpu.dma_semaphore, #tpu.memory_space<semaphore_mem>>) src(%arg6 : memref<16x1024xf32, #tpu.memory_space<vmem>>) dst(%dma_wait3A_460 : memref<16x1024xf32, #tpu.memory_space<hbm>>)
      %jit3A_461 = arith.constant 4 : i32
      %eq3A_462 = arith.constant 0 : i32
      %eq3A_463 = arith.cmpi eq, %jit3A_461, %eq3A_462 : i32
      %jit3A_464 = arith.constant 1 : i32
      %select_n3A_465 = arith.select %eq3A_463, %jit3A_464, %jit3A_461 : i32
      %rem3A_466 = arith.remsi %add3A_407, %select_n3A_465 : i32
      %ne3A_467 = arith.constant 0 : i32
      %ne3A_468 = arith.cmpi ne, %rem3A_466, %ne3A_467 : i32
      %lt3A_469 = arith.constant 0 : i32
      %lt3A_470 = arith.cmpi slt, %rem3A_466, %lt3A_469 : i32
      %lt3A_471 = arith.constant 0 : i32
      %lt3A_472 = arith.cmpi slt, %select_n3A_465, %lt3A_471 : i32
      %ne3A_473 = arith.xori %lt3A_470, %lt3A_472 : i1
      %and3A_474 = arith.andi %ne3A_473, %ne3A_468 : i1
      %add3A_475 = arith.addi %rem3A_466, %select_n3A_465 : i32
      %select_n3A_476 = arith.select %and3A_474, %add3A_475, %rem3A_466 : i32
      %jit3A_477 = arith.constant 4 : i32
      %div3A_478 = arith.divsi %add3A_407, %jit3A_477 : i32
      %sign3A_479 = arith.constant 0 : i32
      %sign3A_480 = arith.cmpi sgt, %add3A_407, %sign3A_479 : i32
      %sign3A_481 = arith.extui %sign3A_480 : i1 to i32
      %sign3A_482 = arith.constant 0 : i32
      %sign3A_483 = arith.cmpi slt, %add3A_407, %sign3A_482 : i32
      %sign3A_484 = arith.extui %sign3A_483 : i1 to i32
      %sign3A_485 = arith.subi %sign3A_481, %sign3A_484 : i32
      %sign3A_486 = arith.constant 0 : i32
      %sign3A_487 = arith.cmpi sgt, %jit3A_477, %sign3A_486 : i32
      %sign3A_488 = arith.extui %sign3A_487 : i1 to i32
      %sign3A_489 = arith.constant 0 : i32
      %sign3A_490 = arith.cmpi slt, %jit3A_477, %sign3A_489 : i32
      %sign3A_491 = arith.extui %sign3A_490 : i1 to i32
      %sign3A_492 = arith.subi %sign3A_488, %sign3A_491 : i32
      %ne3A_493 = arith.cmpi ne, %sign3A_485, %sign3A_492 : i32
      %rem3A_494 = arith.remsi %add3A_407, %jit3A_477 : i32
      %ne3A_495 = arith.constant 0 : i32
      %ne3A_496 = arith.cmpi ne, %rem3A_494, %ne3A_495 : i32
      %and3A_497 = arith.andi %ne3A_493, %ne3A_496 : i1
      %sub3A_498 = arith.constant 1 : i32
      %sub3A_499 = arith.subi %div3A_478, %sub3A_498 : i32
      %select_n3A_500 = arith.select %and3A_497, %sub3A_499, %div3A_478 : i32
      %mul3A_501 = arith.constant 16 : i32
      %mul3A_502 = arith.muli %select_n3A_476, %mul3A_501 : i32
      %add3A_503 = arith.addi %mul3A_2, %mul3A_502 : i32
      %dma_start3A_504 = arith.constant 0 : i32
      %dma_start3A_505 = tpu.memref_slice %arg2[%select_n3A_500, %add3A_503, %dma_start3A_504] : memref<4x2048x1024xf32, #tpu.memory_space<hbm>> -> memref<1x16x1024xf32, #tpu.memory_space<hbm>>
      %dma_start3A_506 = tpu.memref_squeeze %dma_start3A_505 : memref<1x16x1024xf32, #tpu.memory_space<hbm>> -> memref<16x1024xf32, #tpu.memory_space<hbm>>
      %dma_start3A_507 = arith.constant 0 : i32
      %dma_start3A_508 = tpu.memref_slice %arg2[%select_n3A_500, %add3A_503, %dma_start3A_507] : memref<4x2048x1024xf32, #tpu.memory_space<hbm>> -> memref<1x16x1024xf32, #tpu.memory_space<hbm>>
      %dma_start3A_509 = tpu.memref_squeeze %dma_start3A_508 : memref<1x16x1024xf32, #tpu.memory_space<hbm>> -> memref<16x1024xf32, #tpu.memory_space<hbm>>
      tpu.enqueue_dma source(%dma_start3A_509 : memref<16x1024xf32, #tpu.memory_space<hbm>>) target(%arg6 : memref<16x1024xf32, #tpu.memory_space<vmem>>) target_semaphore(%arg9 : memref<!tpu.dma_semaphore, #tpu.memory_space<semaphore_mem>>)
      %mul3A_510 = arith.constant 3 : i32
      %mul3A_511 = arith.muli %mul3A_510, %scan3A_346 : i32
      %add3A_512 = arith.constant 4 : i32
      %add3A_513 = arith.addi %add3A_512, %mul3A_511 : i32
      %add3A_514 = arith.constant 1 : i32
      %add3A_515 = arith.addi %add3A_513, %add3A_514 : i32
      %jit3A_516 = arith.constant 4 : i32
      %eq3A_517 = arith.constant 0 : i32
      %eq3A_518 = arith.cmpi eq, %jit3A_516, %eq3A_517 : i32
      %jit3A_519 = arith.constant 1 : i32
      %select_n3A_520 = arith.select %eq3A_518, %jit3A_519, %jit3A_516 : i32
      %rem3A_521 = arith.remsi %add3A_515, %select_n3A_520 : i32
      %ne3A_522 = arith.constant 0 : i32
      %ne3A_523 = arith.cmpi ne, %rem3A_521, %ne3A_522 : i32
      %lt3A_524 = arith.constant 0 : i32
      %lt3A_525 = arith.cmpi slt, %rem3A_521, %lt3A_524 : i32
      %lt3A_526 = arith.constant 0 : i32
      %lt3A_527 = arith.cmpi slt, %select_n3A_520, %lt3A_526 : i32
      %ne3A_528 = arith.xori %lt3A_525, %lt3A_527 : i1
      %and3A_529 = arith.andi %ne3A_528, %ne3A_523 : i1
      %add3A_530 = arith.addi %rem3A_521, %select_n3A_520 : i32
      %select_n3A_531 = arith.select %and3A_529, %add3A_530, %rem3A_521 : i32
      %jit3A_532 = arith.constant 4 : i32
      %div3A_533 = arith.divsi %add3A_515, %jit3A_532 : i32
      %sign3A_534 = arith.constant 0 : i32
      %sign3A_535 = arith.cmpi sgt, %add3A_515, %sign3A_534 : i32
      %sign3A_536 = arith.extui %sign3A_535 : i1 to i32
      %sign3A_537 = arith.constant 0 : i32
      %sign3A_538 = arith.cmpi slt, %add3A_515, %sign3A_537 : i32
      %sign3A_539 = arith.extui %sign3A_538 : i1 to i32
      %sign3A_540 = arith.subi %sign3A_536, %sign3A_539 : i32
      %sign3A_541 = arith.constant 0 : i32
      %sign3A_542 = arith.cmpi sgt, %jit3A_532, %sign3A_541 : i32
      %sign3A_543 = arith.extui %sign3A_542 : i1 to i32
      %sign3A_544 = arith.constant 0 : i32
      %sign3A_545 = arith.cmpi slt, %jit3A_532, %sign3A_544 : i32
      %sign3A_546 = arith.extui %sign3A_545 : i1 to i32
      %sign3A_547 = arith.subi %sign3A_543, %sign3A_546 : i32
      %ne3A_548 = arith.cmpi ne, %sign3A_540, %sign3A_547 : i32
      %rem3A_549 = arith.remsi %add3A_515, %jit3A_532 : i32
      %ne3A_550 = arith.constant 0 : i32
      %ne3A_551 = arith.cmpi ne, %rem3A_549, %ne3A_550 : i32
      %and3A_552 = arith.andi %ne3A_548, %ne3A_551 : i1
      %sub3A_553 = arith.constant 1 : i32
      %sub3A_554 = arith.subi %div3A_533, %sub3A_553 : i32
      %select_n3A_555 = arith.select %and3A_552, %sub3A_554, %div3A_533 : i32
      %mul3A_556 = arith.constant 16 : i32
      %mul3A_557 = arith.muli %select_n3A_531, %mul3A_556 : i32
      %add3A_558 = arith.addi %mul3A_2, %mul3A_557 : i32
      %dma_wait3A_559 = arith.constant 0 : i32
      %dma_wait3A_560 = tpu.memref_slice %arg2[%select_n3A_555, %add3A_558, %dma_wait3A_559] : memref<4x2048x1024xf32, #tpu.memory_space<hbm>> -> memref<1x16x1024xf32, #tpu.memory_space<hbm>>
      %dma_wait3A_561 = tpu.memref_squeeze %dma_wait3A_560 : memref<1x16x1024xf32, #tpu.memory_space<hbm>> -> memref<16x1024xf32, #tpu.memory_space<hbm>>
      %dma_wait3A_562 = arith.constant 0 : i32
      %dma_wait3A_563 = tpu.memref_slice %arg2[%select_n3A_555, %add3A_558, %dma_wait3A_562] : memref<4x2048x1024xf32, #tpu.memory_space<hbm>> -> memref<1x16x1024xf32, #tpu.memory_space<hbm>>
      %dma_wait3A_564 = tpu.memref_squeeze %dma_wait3A_563 : memref<1x16x1024xf32, #tpu.memory_space<hbm>> -> memref<16x1024xf32, #tpu.memory_space<hbm>>
      tpu.wait_dma2 semaphore(%arg11 : memref<!tpu.dma_semaphore, #tpu.memory_space<semaphore_mem>>) src(%dma_wait3A_564 : memref<16x1024xf32, #tpu.memory_space<hbm>>) dst(%arg8 : memref<16x1024xf32, #tpu.memory_space<vmem>>)
      %mul3A_565 = arith.constant 16 : i32
      %mul3A_566 = arith.muli %select_n3A_531, %mul3A_565 : i32
      %parallel_loop3A_567 = arith.constant 0 : i32
      %parallel_loop3A_568 = arith.constant 16384 : i32
      %parallel_loop3A_569 = arith.constant 16 : i32
      scf.for %parallel_loop3A_856 = %parallel_loop3A_567 to %parallel_loop3A_568 step %parallel_loop3A_569  : i32 {
        %parallel_loop3A_857 = arith.constant 1024 : i32
        %parallel_loop3A_858 = arith.divsi %parallel_loop3A_856, %parallel_loop3A_857 : i32
        %parallel_loop3A_859 = arith.constant 0 : i32
        %parallel_loop3A_860 = arith.cmpi sgt, %parallel_loop3A_856, %parallel_loop3A_859 : i32
        %parallel_loop3A_861 = arith.extui %parallel_loop3A_860 : i1 to i32
        %parallel_loop3A_862 = arith.constant 0 : i32
        %parallel_loop3A_863 = arith.cmpi slt, %parallel_loop3A_856, %parallel_loop3A_862 : i32
        %parallel_loop3A_864 = arith.extui %parallel_loop3A_863 : i1 to i32
        %parallel_loop3A_865 = arith.subi %parallel_loop3A_861, %parallel_loop3A_864 : i32
        %parallel_loop3A_866 = arith.constant 0 : i32
        %parallel_loop3A_867 = arith.cmpi sgt, %parallel_loop3A_857, %parallel_loop3A_866 : i32
        %parallel_loop3A_868 = arith.extui %parallel_loop3A_867 : i1 to i32
        %parallel_loop3A_869 = arith.constant 0 : i32
        %parallel_loop3A_870 = arith.cmpi slt, %parallel_loop3A_857, %parallel_loop3A_869 : i32
        %parallel_loop3A_871 = arith.extui %parallel_loop3A_870 : i1 to i32
        %parallel_loop3A_872 = arith.subi %parallel_loop3A_868, %parallel_loop3A_871 : i32
        %parallel_loop3A_873 = arith.cmpi ne, %parallel_loop3A_865, %parallel_loop3A_872 : i32
        %parallel_loop3A_874 = arith.remsi %parallel_loop3A_856, %parallel_loop3A_857 : i32
        %parallel_loop3A_875 = arith.constant 0 : i32
        %parallel_loop3A_876 = arith.cmpi ne, %parallel_loop3A_874, %parallel_loop3A_875 : i32
        %parallel_loop3A_877 = arith.andi %parallel_loop3A_873, %parallel_loop3A_876 : i1
        %parallel_loop3A_878 = arith.constant 1 : i32
        %parallel_loop3A_879 = arith.subi %parallel_loop3A_858, %parallel_loop3A_878 : i32
        %parallel_loop3A_880 = arith.select %parallel_loop3A_877, %parallel_loop3A_879, %parallel_loop3A_858 : i32
        %parallel_loop3A_881 = arith.constant 1024 : i32
        %parallel_loop3A_882 = arith.constant 0 : i32
        %parallel_loop3A_883 = arith.cmpi eq, %parallel_loop3A_881, %parallel_loop3A_882 : i32
        %parallel_loop3A_884 = arith.constant 1 : i32
        %parallel_loop3A_885 = arith.select %parallel_loop3A_883, %parallel_loop3A_884, %parallel_loop3A_881 : i32
        %parallel_loop3A_886 = arith.remsi %parallel_loop3A_856, %parallel_loop3A_885 : i32
        %parallel_loop3A_887 = arith.constant 0 : i32
        %parallel_loop3A_888 = arith.cmpi ne, %parallel_loop3A_886, %parallel_loop3A_887 : i32
        %parallel_loop3A_889 = arith.constant 0 : i32
        %parallel_loop3A_890 = arith.cmpi slt, %parallel_loop3A_886, %parallel_loop3A_889 : i32
        %parallel_loop3A_891 = arith.constant 0 : i32
        %parallel_loop3A_892 = arith.cmpi slt, %parallel_loop3A_885, %parallel_loop3A_891 : i32
        %parallel_loop3A_893 = arith.xori %parallel_loop3A_890, %parallel_loop3A_892 : i1
        %parallel_loop3A_894 = arith.andi %parallel_loop3A_893, %parallel_loop3A_888 : i1
        %parallel_loop3A_895 = arith.addi %parallel_loop3A_886, %parallel_loop3A_885 : i32
        %parallel_loop3A_896 = arith.select %parallel_loop3A_894, %parallel_loop3A_895, %parallel_loop3A_886 : i32
        %parallel_loop3A_897 = arith.addi %mul3A_566, %parallel_loop3A_880 : i32
        %parallel_loop3A_898 = arith.index_cast %parallel_loop3A_897 : i32 to index
        %parallel_loop3A_899 = arith.index_cast %parallel_loop3A_896 : i32 to index
        %parallel_loop3A_900 = tpu.vector_load %arg5[%parallel_loop3A_898, %parallel_loop3A_899] {strides = array<i32>} : memref<64x1024xf32, #tpu.memory_space<vmem>>, vector<1x16xf32>,
        %parallel_loop3A_901 = vector.shape_cast %parallel_loop3A_900 : vector<1x16xf32> to vector<16xf32>
        %parallel_loop3A_902 = arith.index_cast %parallel_loop3A_880 : i32 to index
        %parallel_loop3A_903 = arith.index_cast %parallel_loop3A_896 : i32 to index
        %parallel_loop3A_904 = tpu.vector_load %arg8[%parallel_loop3A_902, %parallel_loop3A_903] {strides = array<i32>} : memref<16x1024xf32, #tpu.memory_space<vmem>>, vector<1x16xf32>,
        %parallel_loop3A_905 = vector.shape_cast %parallel_loop3A_904 : vector<1x16xf32> to vector<16xf32>
        %parallel_loop3A_906 = vector.shape_cast %parallel_loop3A_901 : vector<16xf32> to vector<1x16xf32>
        tpu.vector_store %arg8[%parallel_loop3A_902, %parallel_loop3A_903], %parallel_loop3A_906 {add = true, strides = array<i32>} : memref<16x1024xf32, #tpu.memory_space<vmem>>, vector<1x16xf32>,
      } {sc.loop_unroll_factor = 8 : i64, sc.parallel_access}
      %mul3A_570 = arith.constant 16 : i32
      %mul3A_571 = arith.muli %select_n3A_531, %mul3A_570 : i32
      %add3A_572 = arith.addi %mul3A_2, %mul3A_571 : i32
      %dma_start3A_573 = arith.constant 0 : i32
      %dma_start3A_574 = tpu.memref_slice %arg4[%select_n3A_555, %add3A_572, %dma_start3A_573] : memref<4x2048x1024xf32, #tpu.memory_space<hbm>> -> memref<1x16x1024xf32, #tpu.memory_space<hbm>>
      %dma_start3A_575 = tpu.memref_squeeze %dma_start3A_574 : memref<1x16x1024xf32, #tpu.memory_space<hbm>> -> memref<16x1024xf32, #tpu.memory_space<hbm>>
      %dma_start3A_576 = arith.constant 0 : i32
      %dma_start3A_577 = tpu.memref_slice %arg4[%select_n3A_555, %add3A_572, %dma_start3A_576] : memref<4x2048x1024xf32, #tpu.memory_space<hbm>> -> memref<1x16x1024xf32, #tpu.memory_space<hbm>>
      %dma_start3A_578 = tpu.memref_squeeze %dma_start3A_577 : memref<1x16x1024xf32, #tpu.memory_space<hbm>> -> memref<16x1024xf32, #tpu.memory_space<hbm>>
      tpu.enqueue_dma source(%arg8 : memref<16x1024xf32, #tpu.memory_space<vmem>>) target(%dma_start3A_578 : memref<16x1024xf32, #tpu.memory_space<hbm>>) target_semaphore(%arg14 : memref<!tpu.dma_semaphore, #tpu.memory_space<semaphore_mem>>)
      %add3A_579 = arith.constant 2 : i32
      %add3A_580 = arith.addi %add3A_515, %add3A_579 : i32
      %sub3A_581 = arith.constant 1 : i32
      %sub3A_582 = arith.subi %add3A_515, %sub3A_581 : i32
      %jit3A_583 = arith.constant 4 : i32
      %eq3A_584 = arith.constant 0 : i32
      %eq3A_585 = arith.cmpi eq, %jit3A_583, %eq3A_584 : i32
      %jit3A_586 = arith.constant 1 : i32
      %select_n3A_587 = arith.select %eq3A_585, %jit3A_586, %jit3A_583 : i32
      %rem3A_588 = arith.remsi %sub3A_582, %select_n3A_587 : i32
      %ne3A_589 = arith.constant 0 : i32
      %ne3A_590 = arith.cmpi ne, %rem3A_588, %ne3A_589 : i32
      %lt3A_591 = arith.constant 0 : i32
      %lt3A_592 = arith.cmpi slt, %rem3A_588, %lt3A_591 : i32
      %lt3A_593 = arith.constant 0 : i32
      %lt3A_594 = arith.cmpi slt, %select_n3A_587, %lt3A_593 : i32
      %ne3A_595 = arith.xori %lt3A_592, %lt3A_594 : i1
      %and3A_596 = arith.andi %ne3A_595, %ne3A_590 : i1
      %add3A_597 = arith.addi %rem3A_588, %select_n3A_587 : i32
      %select_n3A_598 = arith.select %and3A_596, %add3A_597, %rem3A_588 : i32
      %sub3A_599 = arith.constant 1 : i32
      %sub3A_600 = arith.subi %add3A_515, %sub3A_599 : i32
      %jit3A_601 = arith.constant 4 : i32
      %div3A_602 = arith.divsi %sub3A_600, %jit3A_601 : i32
      %sign3A_603 = arith.constant 0 : i32
      %sign3A_604 = arith.cmpi sgt, %sub3A_600, %sign3A_603 : i32
      %sign3A_605 = arith.extui %sign3A_604 : i1 to i32
      %sign3A_606 = arith.constant 0 : i32
      %sign3A_607 = arith.cmpi slt, %sub3A_600, %sign3A_606 : i32
      %sign3A_608 = arith.extui %sign3A_607 : i1 to i32
      %sign3A_609 = arith.subi %sign3A_605, %sign3A_608 : i32
      %sign3A_610 = arith.constant 0 : i32
      %sign3A_611 = arith.cmpi sgt, %jit3A_601, %sign3A_610 : i32
      %sign3A_612 = arith.extui %sign3A_611 : i1 to i32
      %sign3A_613 = arith.constant 0 : i32
      %sign3A_614 = arith.cmpi slt, %jit3A_601, %sign3A_613 : i32
      %sign3A_615 = arith.extui %sign3A_614 : i1 to i32
      %sign3A_616 = arith.subi %sign3A_612, %sign3A_615 : i32
      %ne3A_617 = arith.cmpi ne, %sign3A_609, %sign3A_616 : i32
      %rem3A_618 = arith.remsi %sub3A_600, %jit3A_601 : i32
      %ne3A_619 = arith.constant 0 : i32
      %ne3A_620 = arith.cmpi ne, %rem3A_618, %ne3A_619 : i32
      %and3A_621 = arith.andi %ne3A_617, %ne3A_620 : i1
      %sub3A_622 = arith.constant 1 : i32
      %sub3A_623 = arith.subi %div3A_602, %sub3A_622 : i32
      %select_n3A_624 = arith.select %and3A_621, %sub3A_623, %div3A_602 : i32
      %mul3A_625 = arith.constant 16 : i32
      %mul3A_626 = arith.muli %select_n3A_598, %mul3A_625 : i32
      %add3A_627 = arith.addi %mul3A_2, %mul3A_626 : i32
      %dma_wait3A_628 = arith.constant 0 : i32
      %dma_wait3A_629 = tpu.memref_slice %arg4[%select_n3A_624, %add3A_627, %dma_wait3A_628] : memref<4x2048x1024xf32, #tpu.memory_space<hbm>> -> memref<1x16x1024xf32, #tpu.memory_space<hbm>>
      %dma_wait3A_630 = tpu.memref_squeeze %dma_wait3A_629 : memref<1x16x1024xf32, #tpu.memory_space<hbm>> -> memref<16x1024xf32, #tpu.memory_space<hbm>>
      %dma_wait3A_631 = arith.constant 0 : i32
      %dma_wait3A_632 = tpu.memref_slice %arg4[%select_n3A_624, %add3A_627, %dma_wait3A_631] : memref<4x2048x1024xf32, #tpu.memory_space<hbm>> -> memref<1x16x1024xf32, #tpu.memory_space<hbm>>
      %dma_wait3A_633 = tpu.memref_squeeze %dma_wait3A_632 : memref<1x16x1024xf32, #tpu.memory_space<hbm>> -> memref<16x1024xf32, #tpu.memory_space<hbm>>
      tpu.wait_dma2 semaphore(%arg13 : memref<!tpu.dma_semaphore, #tpu.memory_space<semaphore_mem>>) src(%arg7 : memref<16x1024xf32, #tpu.memory_space<vmem>>) dst(%dma_wait3A_633 : memref<16x1024xf32, #tpu.memory_space<hbm>>)
      %jit3A_634 = arith.constant 4 : i32
      %eq3A_635 = arith.constant 0 : i32
      %eq3A_636 = arith.cmpi eq, %jit3A_634, %eq3A_635 : i32
      %jit3A_637 = arith.constant 1 : i32
      %select_n3A_638 = arith.select %eq3A_636, %jit3A_637, %jit3A_634 : i32
      %rem3A_639 = arith.remsi %add3A_580, %select_n3A_638 : i32
      %ne3A_640 = arith.constant 0 : i32
      %ne3A_641 = arith.cmpi ne, %rem3A_639, %ne3A_640 : i32
      %lt3A_642 = arith.constant 0 : i32
      %lt3A_643 = arith.cmpi slt, %rem3A_639, %lt3A_642 : i32
      %lt3A_644 = arith.constant 0 : i32
      %lt3A_645 = arith.cmpi slt, %select_n3A_638, %lt3A_644 : i32
      %ne3A_646 = arith.xori %lt3A_643, %lt3A_645 : i1
      %and3A_647 = arith.andi %ne3A_646, %ne3A_641 : i1
      %add3A_648 = arith.addi %rem3A_639, %select_n3A_638 : i32
      %select_n3A_649 = arith.select %and3A_647, %add3A_648, %rem3A_639 : i32
      %jit3A_650 = arith.constant 4 : i32
      %div3A_651 = arith.divsi %add3A_580, %jit3A_650 : i32
      %sign3A_652 = arith.constant 0 : i32
      %sign3A_653 = arith.cmpi sgt, %add3A_580, %sign3A_652 : i32
      %sign3A_654 = arith.extui %sign3A_653 : i1 to i32
      %sign3A_655 = arith.constant 0 : i32
      %sign3A_656 = arith.cmpi slt, %add3A_580, %sign3A_655 : i32
      %sign3A_657 = arith.extui %sign3A_656 : i1 to i32
      %sign3A_658 = arith.subi %sign3A_654, %sign3A_657 : i32
      %sign3A_659 = arith.constant 0 : i32
      %sign3A_660 = arith.cmpi sgt, %jit3A_650, %sign3A_659 : i32
      %sign3A_661 = arith.extui %sign3A_660 : i1 to i32
      %sign3A_662 = arith.constant 0 : i32
      %sign3A_663 = arith.cmpi slt, %jit3A_650, %sign3A_662 : i32
      %sign3A_664 = arith.extui %sign3A_663 : i1 to i32
      %sign3A_665 = arith.subi %sign3A_661, %sign3A_664 : i32
      %ne3A_666 = arith.cmpi ne, %sign3A_658, %sign3A_665 : i32
      %rem3A_667 = arith.remsi %add3A_580, %jit3A_650 : i32
      %ne3A_668 = arith.constant 0 : i32
      %ne3A_669 = arith.cmpi ne, %rem3A_667, %ne3A_668 : i32
      %and3A_670 = arith.andi %ne3A_666, %ne3A_669 : i1
      %sub3A_671 = arith.constant 1 : i32
      %sub3A_672 = arith.subi %div3A_651, %sub3A_671 : i32
      %select_n3A_673 = arith.select %and3A_670, %sub3A_672, %div3A_651 : i32
      %mul3A_674 = arith.constant 16 : i32
      %mul3A_675 = arith.muli %select_n3A_649, %mul3A_674 : i32
      %add3A_676 = arith.addi %mul3A_2, %mul3A_675 : i32
      %dma_start3A_677 = arith.constant 0 : i32
      %dma_start3A_678 = tpu.memref_slice %arg2[%select_n3A_673, %add3A_676, %dma_start3A_677] : memref<4x2048x1024xf32, #tpu.memory_space<hbm>> -> memref<1x16x1024xf32, #tpu.memory_space<hbm>>
      %dma_start3A_679 = tpu.memref_squeeze %dma_start3A_678 : memref<1x16x1024xf32, #tpu.memory_space<hbm>> -> memref<16x1024xf32, #tpu.memory_space<hbm>>
      %dma_start3A_680 = arith.constant 0 : i32
      %dma_start3A_681 = tpu.memref_slice %arg2[%select_n3A_673, %add3A_676, %dma_start3A_680] : memref<4x2048x1024xf32, #tpu.memory_space<hbm>> -> memref<1x16x1024xf32, #tpu.memory_space<hbm>>
      %dma_start3A_682 = tpu.memref_squeeze %dma_start3A_681 : memref<1x16x1024xf32, #tpu.memory_space<hbm>> -> memref<16x1024xf32, #tpu.memory_space<hbm>>
      tpu.enqueue_dma source(%dma_start3A_682 : memref<16x1024xf32, #tpu.memory_space<hbm>>) target(%arg7 : memref<16x1024xf32, #tpu.memory_space<vmem>>) target_semaphore(%arg10 : memref<!tpu.dma_semaphore, #tpu.memory_space<semaphore_mem>>)
      %mul3A_683 = arith.constant 3 : i32
      %mul3A_684 = arith.muli %mul3A_683, %scan3A_346 : i32
      %add3A_685 = arith.constant 4 : i32
      %add3A_686 = arith.addi %add3A_685, %mul3A_684 : i32
      %add3A_687 = arith.constant 2 : i32
      %add3A_688 = arith.addi %add3A_686, %add3A_687 : i32
      %jit3A_689 = arith.constant 4 : i32
      %eq3A_690 = arith.constant 0 : i32
      %eq3A_691 = arith.cmpi eq, %jit3A_689, %eq3A_690 : i32
      %jit3A_692 = arith.constant 1 : i32
      %select_n3A_693 = arith.select %eq3A_691, %jit3A_692, %jit3A_689 : i32
      %rem3A_694 = arith.remsi %add3A_688, %select_n3A_693 : i32
      %ne3A_695 = arith.constant 0 : i32
      %ne3A_696 = arith.cmpi ne, %rem3A_694, %ne3A_695 : i32
      %lt3A_697 = arith.constant 0 : i32
      %lt3A_698 = arith.cmpi slt, %rem3A_694, %lt3A_697 : i32
      %lt3A_699 = arith.constant 0 : i32
      %lt3A_700 = arith.cmpi slt, %select_n3A_693, %lt3A_699 : i32
      %ne3A_701 = arith.xori %lt3A_698, %lt3A_700 : i1
      %and3A_702 = arith.andi %ne3A_701, %ne3A_696 : i1
      %add3A_703 = arith.addi %rem3A_694, %select_n3A_693 : i32
      %select_n3A_704 = arith.select %and3A_702, %add3A_703, %rem3A_694 : i32
      %jit3A_705 = arith.constant 4 : i32
      %div3A_706 = arith.divsi %add3A_688, %jit3A_705 : i32
      %sign3A_707 = arith.constant 0 : i32
      %sign3A_708 = arith.cmpi sgt, %add3A_688, %sign3A_707 : i32
      %sign3A_709 = arith.extui %sign3A_708 : i1 to i32
      %sign3A_710 = arith.constant 0 : i32
      %sign3A_711 = arith.cmpi slt, %add3A_688, %sign3A_710 : i32
      %sign3A_712 = arith.extui %sign3A_711 : i1 to i32
      %sign3A_713 = arith.subi %sign3A_709, %sign3A_712 : i32
      %sign3A_714 = arith.constant 0 : i32
      %sign3A_715 = arith.cmpi sgt, %jit3A_705, %sign3A_714 : i32
      %sign3A_716 = arith.extui %sign3A_715 : i1 to i32
      %sign3A_717 = arith.constant 0 : i32
      %sign3A_718 = arith.cmpi slt, %jit3A_705, %sign3A_717 : i32
      %sign3A_719 = arith.extui %sign3A_718 : i1 to i32
      %sign3A_720 = arith.subi %sign3A_716, %sign3A_719 : i32
      %ne3A_721 = arith.cmpi ne, %sign3A_713, %sign3A_720 : i32
      %rem3A_722 = arith.remsi %add3A_688, %jit3A_705 : i32
      %ne3A_723 = arith.constant 0 : i32
      %ne3A_724 = arith.cmpi ne, %rem3A_722, %ne3A_723 : i32
      %and3A_725 = arith.andi %ne3A_721, %ne3A_724 : i1
      %sub3A_726 = arith.constant 1 : i32
      %sub3A_727 = arith.subi %div3A_706, %sub3A_726 : i32
      %select_n3A_728 = arith.select %and3A_725, %sub3A_727, %div3A_706 : i32
      %mul3A_729 = arith.constant 16 : i32
      %mul3A_730 = arith.muli %select_n3A_704, %mul3A_729 : i32
      %add3A_731 = arith.addi %mul3A_2, %mul3A_730 : i32
      %dma_wait3A_732 = arith.constant 0 : i32
      %dma_wait3A_733 = tpu.memref_slice %arg2[%select_n3A_728, %add3A_731, %dma_wait3A_732] : memref<4x2048x1024xf32, #tpu.memory_space<hbm>> -> memref<1x16x1024xf32, #tpu.memory_space<hbm>>
      %dma_wait3A_734 = tpu.memref_squeeze %dma_wait3A_733 : memref<1x16x1024xf32, #tpu.memory_space<hbm>> -> memref<16x1024xf32, #tpu.memory_space<hbm>>
      %dma_wait3A_735 = arith.constant 0 : i32
      %dma_wait3A_736 = tpu.memref_slice %arg2[%select_n3A_728, %add3A_731, %dma_wait3A_735] : memref<4x2048x1024xf32, #tpu.memory_space<hbm>> -> memref<1x16x1024xf32, #tpu.memory_space<hbm>>
      %dma_wait3A_737 = tpu.memref_squeeze %dma_wait3A_736 : memref<1x16x1024xf32, #tpu.memory_space<hbm>> -> memref<16x1024xf32, #tpu.memory_space<hbm>>
      tpu.wait_dma2 semaphore(%arg9 : memref<!tpu.dma_semaphore, #tpu.memory_space<semaphore_mem>>) src(%dma_wait3A_737 : memref<16x1024xf32, #tpu.memory_space<hbm>>) dst(%arg6 : memref<16x1024xf32, #tpu.memory_space<vmem>>)
      %mul3A_738 = arith.constant 16 : i32
      %mul3A_739 = arith.muli %select_n3A_704, %mul3A_738 : i32
      %parallel_loop3A_740 = arith.constant 0 : i32
      %parallel_loop3A_741 = arith.constant 16384 : i32
      %parallel_loop3A_742 = arith.constant 16 : i32
      scf.for %parallel_loop3A_856 = %parallel_loop3A_740 to %parallel_loop3A_741 step %parallel_loop3A_742  : i32 {
        %parallel_loop3A_857 = arith.constant 1024 : i32
        %parallel_loop3A_858 = arith.divsi %parallel_loop3A_856, %parallel_loop3A_857 : i32
        %parallel_loop3A_859 = arith.constant 0 : i32
        %parallel_loop3A_860 = arith.cmpi sgt, %parallel_loop3A_856, %parallel_loop3A_859 : i32
        %parallel_loop3A_861 = arith.extui %parallel_loop3A_860 : i1 to i32
        %parallel_loop3A_862 = arith.constant 0 : i32
        %parallel_loop3A_863 = arith.cmpi slt, %parallel_loop3A_856, %parallel_loop3A_862 : i32
        %parallel_loop3A_864 = arith.extui %parallel_loop3A_863 : i1 to i32
        %parallel_loop3A_865 = arith.subi %parallel_loop3A_861, %parallel_loop3A_864 : i32
        %parallel_loop3A_866 = arith.constant 0 : i32
        %parallel_loop3A_867 = arith.cmpi sgt, %parallel_loop3A_857, %parallel_loop3A_866 : i32
        %parallel_loop3A_868 = arith.extui %parallel_loop3A_867 : i1 to i32
        %parallel_loop3A_869 = arith.constant 0 : i32
        %parallel_loop3A_870 = arith.cmpi slt, %parallel_loop3A_857, %parallel_loop3A_869 : i32
        %parallel_loop3A_871 = arith.extui %parallel_loop3A_870 : i1 to i32
        %parallel_loop3A_872 = arith.subi %parallel_loop3A_868, %parallel_loop3A_871 : i32
        %parallel_loop3A_873 = arith.cmpi ne, %parallel_loop3A_865, %parallel_loop3A_872 : i32
        %parallel_loop3A_874 = arith.remsi %parallel_loop3A_856, %parallel_loop3A_857 : i32
        %parallel_loop3A_875 = arith.constant 0 : i32
        %parallel_loop3A_876 = arith.cmpi ne, %parallel_loop3A_874, %parallel_loop3A_875 : i32
        %parallel_loop3A_877 = arith.andi %parallel_loop3A_873, %parallel_loop3A_876 : i1
        %parallel_loop3A_878 = arith.constant 1 : i32
        %parallel_loop3A_879 = arith.subi %parallel_loop3A_858, %parallel_loop3A_878 : i32
        %parallel_loop3A_880 = arith.select %parallel_loop3A_877, %parallel_loop3A_879, %parallel_loop3A_858 : i32
        %parallel_loop3A_881 = arith.constant 1024 : i32
        %parallel_loop3A_882 = arith.constant 0 : i32
        %parallel_loop3A_883 = arith.cmpi eq, %parallel_loop3A_881, %parallel_loop3A_882 : i32
        %parallel_loop3A_884 = arith.constant 1 : i32
        %parallel_loop3A_885 = arith.select %parallel_loop3A_883, %parallel_loop3A_884, %parallel_loop3A_881 : i32
        %parallel_loop3A_886 = arith.remsi %parallel_loop3A_856, %parallel_loop3A_885 : i32
        %parallel_loop3A_887 = arith.constant 0 : i32
        %parallel_loop3A_888 = arith.cmpi ne, %parallel_loop3A_886, %parallel_loop3A_887 : i32
        %parallel_loop3A_889 = arith.constant 0 : i32
        %parallel_loop3A_890 = arith.cmpi slt, %parallel_loop3A_886, %parallel_loop3A_889 : i32
        %parallel_loop3A_891 = arith.constant 0 : i32
        %parallel_loop3A_892 = arith.cmpi slt, %parallel_loop3A_885, %parallel_loop3A_891 : i32
        %parallel_loop3A_893 = arith.xori %parallel_loop3A_890, %parallel_loop3A_892 : i1
        %parallel_loop3A_894 = arith.andi %parallel_loop3A_893, %parallel_loop3A_888 : i1
        %parallel_loop3A_895 = arith.addi %parallel_loop3A_886, %parallel_loop3A_885 : i32
        %parallel_loop3A_896 = arith.select %parallel_loop3A_894, %parallel_loop3A_895, %parallel_loop3A_886 : i32
        %parallel_loop3A_897 = arith.addi %mul3A_739, %parallel_loop3A_880 : i32
        %parallel_loop3A_898 = arith.index_cast %parallel_loop3A_897 : i32 to index
        %parallel_loop3A_899 = arith.index_cast %parallel_loop3A_896 : i32 to index
        %parallel_loop3A_900 = tpu.vector_load %arg5[%parallel_loop3A_898, %parallel_loop3A_899] {strides = array<i32>} : memref<64x1024xf32, #tpu.memory_space<vmem>>, vector<1x16xf32>,
        %parallel_loop3A_901 = vector.shape_cast %parallel_loop3A_900 : vector<1x16xf32> to vector<16xf32>
        %parallel_loop3A_902 = arith.index_cast %parallel_loop3A_880 : i32 to index
        %parallel_loop3A_903 = arith.index_cast %parallel_loop3A_896 : i32 to index
        %parallel_loop3A_904 = tpu.vector_load %arg6[%parallel_loop3A_902, %parallel_loop3A_903] {strides = array<i32>} : memref<16x1024xf32, #tpu.memory_space<vmem>>, vector<1x16xf32>,
        %parallel_loop3A_905 = vector.shape_cast %parallel_loop3A_904 : vector<1x16xf32> to vector<16xf32>
        %parallel_loop3A_906 = vector.shape_cast %parallel_loop3A_901 : vector<16xf32> to vector<1x16xf32>
        tpu.vector_store %arg6[%parallel_loop3A_902, %parallel_loop3A_903], %parallel_loop3A_906 {add = true, strides = array<i32>} : memref<16x1024xf32, #tpu.memory_space<vmem>>, vector<1x16xf32>,
      } {sc.loop_unroll_factor = 8 : i64, sc.parallel_access}
      %mul3A_743 = arith.constant 16 : i32
      %mul3A_744 = arith.muli %select_n3A_704, %mul3A_743 : i32
      %add3A_745 = arith.addi %mul3A_2, %mul3A_744 : i32
      %dma_start3A_746 = arith.constant 0 : i32
      %dma_start3A_747 = tpu.memref_slice %arg4[%select_n3A_728, %add3A_745, %dma_start3A_746] : memref<4x2048x1024xf32, #tpu.memory_space<hbm>> -> memref<1x16x1024xf32, #tpu.memory_space<hbm>>
      %dma_start3A_748 = tpu.memref_squeeze %dma_start3A_747 : memref<1x16x1024xf32, #tpu.memory_space<hbm>> -> memref<16x1024xf32, #tpu.memory_space<hbm>>
      %dma_start3A_749 = arith.constant 0 : i32
      %dma_start3A_750 = tpu.memref_slice %arg4[%select_n3A_728, %add3A_745, %dma_start3A_749] : memref<4x2048x1024xf32, #tpu.memory_space<hbm>> -> memref<1x16x1024xf32, #tpu.memory_space<hbm>>
      %dma_start3A_751 = tpu.memref_squeeze %dma_start3A_750 : memref<1x16x1024xf32, #tpu.memory_space<hbm>> -> memref<16x1024xf32, #tpu.memory_space<hbm>>
      tpu.enqueue_dma source(%arg6 : memref<16x1024xf32, #tpu.memory_space<vmem>>) target(%dma_start3A_751 : memref<16x1024xf32, #tpu.memory_space<hbm>>) target_semaphore(%arg12 : memref<!tpu.dma_semaphore, #tpu.memory_space<semaphore_mem>>)
      %add3A_752 = arith.constant 2 : i32
      %add3A_753 = arith.addi %add3A_688, %add3A_752 : i32
      %sub3A_754 = arith.constant 1 : i32
      %sub3A_755 = arith.subi %add3A_688, %sub3A_754 : i32
      %jit3A_756 = arith.constant 4 : i32
      %eq3A_757 = arith.constant 0 : i32
      %eq3A_758 = arith.cmpi eq, %jit3A_756, %eq3A_757 : i32
      %jit3A_759 = arith.constant 1 : i32
      %select_n3A_760 = arith.select %eq3A_758, %jit3A_759, %jit3A_756 : i32
      %rem3A_761 = arith.remsi %sub3A_755, %select_n3A_760 : i32
      %ne3A_762 = arith.constant 0 : i32
      %ne3A_763 = arith.cmpi ne, %rem3A_761, %ne3A_762 : i32
      %lt3A_764 = arith.constant 0 : i32
      %lt3A_765 = arith.cmpi slt, %rem3A_761, %lt3A_764 : i32
      %lt3A_766 = arith.constant 0 : i32
      %lt3A_767 = arith.cmpi slt, %select_n3A_760, %lt3A_766 : i32
      %ne3A_768 = arith.xori %lt3A_765, %lt3A_767 : i1
      %and3A_769 = arith.andi %ne3A_768, %ne3A_763 : i1
      %add3A_770 = arith.addi %rem3A_761, %select_n3A_760 : i32
      %select_n3A_771 = arith.select %and3A_769, %add3A_770, %rem3A_761 : i32
      %sub3A_772 = arith.constant 1 : i32
      %sub3A_773 = arith.subi %add3A_688, %sub3A_772 : i32
      %jit3A_774 = arith.constant 4 : i32
      %div3A_775 = arith.divsi %sub3A_773, %jit3A_774 : i32
      %sign3A_776 = arith.constant 0 : i32
      %sign3A_777 = arith.cmpi sgt, %sub3A_773, %sign3A_776 : i32
      %sign3A_778 = arith.extui %sign3A_777 : i1 to i32
      %sign3A_779 = arith.constant 0 : i32
      %sign3A_780 = arith.cmpi slt, %sub3A_773, %sign3A_779 : i32
      %sign3A_781 = arith.extui %sign3A_780 : i1 to i32
      %sign3A_782 = arith.subi %sign3A_778, %sign3A_781 : i32
      %sign3A_783 = arith.constant 0 : i32
      %sign3A_784 = arith.cmpi sgt, %jit3A_774, %sign3A_783 : i32
      %sign3A_785 = arith.extui %sign3A_784 : i1 to i32
      %sign3A_786 = arith.constant 0 : i32
      %sign3A_787 = arith.cmpi slt, %jit3A_774, %sign3A_786 : i32
      %sign3A_788 = arith.extui %sign3A_787 : i1 to i32
      %sign3A_789 = arith.subi %sign3A_785, %sign3A_788 : i32
      %ne3A_790 = arith.cmpi ne, %sign3A_782, %sign3A_789 : i32
      %rem3A_791 = arith.remsi %sub3A_773, %jit3A_774 : i32
      %ne3A_792 = arith.constant 0 : i32
      %ne3A_793 = arith.cmpi ne, %rem3A_791, %ne3A_792 : i32
      %and3A_794 = arith.andi %ne3A_790, %ne3A_793 : i1
      %sub3A_795 = arith.constant 1 : i32
      %sub3A_796 = arith.subi %div3A_775, %sub3A_795 : i32
      %select_n3A_797 = arith.select %and3A_794, %sub3A_796, %div3A_775 : i32
      %mul3A_798 = arith.constant 16 : i32
      %mul3A_799 = arith.muli %select_n3A_771, %mul3A_798 : i32
      %add3A_800 = arith.addi %mul3A_2, %mul3A_799 : i32
      %dma_wait3A_801 = arith.constant 0 : i32
      %dma_wait3A_802 = tpu.memref_slice %arg4[%select_n3A_797, %add3A_800, %dma_wait3A_801] : memref<4x2048x1024xf32, #tpu.memory_space<hbm>> -> memref<1x16x1024xf32, #tpu.memory_space<hbm>>
      %dma_wait3A_803 = tpu.memref_squeeze %dma_wait3A_802 : memref<1x16x1024xf32, #tpu.memory_space<hbm>> -> memref<16x1024xf32, #tpu.memory_space<hbm>>
      %dma_wait3A_804 = arith.constant 0 : i32
      %dma_wait3A_805 = tpu.memref_slice %arg4[%select_n3A_797, %add3A_800, %dma_wait3A_804] : memref<4x2048x1024xf32, #tpu.memory_space<hbm>> -> memref<1x16x1024xf32, #tpu.memory_space<hbm>>
      %dma_wait3A_806 = tpu.memref_squeeze %dma_wait3A_805 : memref<1x16x1024xf32, #tpu.memory_space<hbm>> -> memref<16x1024xf32, #tpu.memory_space<hbm>>
      tpu.wait_dma2 semaphore(%arg14 : memref<!tpu.dma_semaphore, #tpu.memory_space<semaphore_mem>>) src(%arg8 : memref<16x1024xf32, #tpu.memory_space<vmem>>) dst(%dma_wait3A_806 : memref<16x1024xf32, #tpu.memory_space<hbm>>)
      %jit3A_807 = arith.constant 4 : i32
      %eq3A_808 = arith.constant 0 : i32
      %eq3A_809 = arith.cmpi eq, %jit3A_807, %eq3A_808 : i32
      %jit3A_810 = arith.constant 1 : i32
      %select_n3A_811 = arith.select %eq3A_809, %jit3A_810, %jit3A_807 : i32
      %rem3A_812 = arith.remsi %add3A_753, %select_n3A_811 : i32
      %ne3A_813 = arith.constant 0 : i32
      %ne3A_814 = arith.cmpi ne, %rem3A_812, %ne3A_813 : i32
      %lt3A_815 = arith.constant 0 : i32
      %lt3A_816 = arith.cmpi slt, %rem3A_812, %lt3A_815 : i32
      %lt3A_817 = arith.constant 0 : i32
      %lt3A_818 = arith.cmpi slt, %select_n3A_811, %lt3A_817 : i32
      %ne3A_819 = arith.xori %lt3A_816, %lt3A_818 : i1
      %and3A_820 = arith.andi %ne3A_819, %ne3A_814 : i1
      %add3A_821 = arith.addi %rem3A_812, %select_n3A_811 : i32
      %select_n3A_822 = arith.select %and3A_820, %add3A_821, %rem3A_812 : i32
      %jit3A_823 = arith.constant 4 : i32
      %div3A_824 = arith.divsi %add3A_753, %jit3A_823 : i32
      %sign3A_825 = arith.constant 0 : i32
      %sign3A_826 = arith.cmpi sgt, %add3A_753, %sign3A_825 : i32
      %sign3A_827 = arith.extui %sign3A_826 : i1 to i32
      %sign3A_828 = arith.constant 0 : i32
      %sign3A_829 = arith.cmpi slt, %add3A_753, %sign3A_828 : i32
      %sign3A_830 = arith.extui %sign3A_829 : i1 to i32
      %sign3A_831 = arith.subi %sign3A_827, %sign3A_830 : i32
      %sign3A_832 = arith.constant 0 : i32
      %sign3A_833 = arith.cmpi sgt, %jit3A_823, %sign3A_832 : i32
      %sign3A_834 = arith.extui %sign3A_833 : i1 to i32
      %sign3A_835 = arith.constant 0 : i32
      %sign3A_836 = arith.cmpi slt, %jit3A_823, %sign3A_835 : i32
      %sign3A_837 = arith.extui %sign3A_836 : i1 to i32
      %sign3A_838 = arith.subi %sign3A_834, %sign3A_837 : i32
      %ne3A_839 = arith.cmpi ne, %sign3A_831, %sign3A_838 : i32
      %rem3A_840 = arith.remsi %add3A_753, %jit3A_823 : i32
      %ne3A_841 = arith.constant 0 : i32
      %ne3A_842 = arith.cmpi ne, %rem3A_840, %ne3A_841 : i32
      %and3A_843 = arith.andi %ne3A_839, %ne3A_842 : i1
      %sub3A_844 = arith.constant 1 : i32
      %sub3A_845 = arith.subi %div3A_824, %sub3A_844 : i32
      %select_n3A_846 = arith.select %and3A_843, %sub3A_845, %div3A_824 : i32
      %mul3A_847 = arith.constant 16 : i32
      %mul3A_848 = arith.muli %select_n3A_822, %mul3A_847 : i32
      %add3A_849 = arith.addi %mul3A_2, %mul3A_848 : i32
      %dma_start3A_850 = arith.constant 0 : i32
      %dma_start3A_851 = tpu.memref_slice %arg2[%select_n3A_846, %add3A_849, %dma_start3A_850] : memref<4x2048x1024xf32, #tpu.memory_space<hbm>> -> memref<1x16x1024xf32, #tpu.memory_space<hbm>>
      %dma_start3A_852 = tpu.memref_squeeze %dma_start3A_851 : memref<1x16x1024xf32, #tpu.memory_space<hbm>> -> memref<16x1024xf32, #tpu.memory_space<hbm>>
      %dma_start3A_853 = arith.constant 0 : i32
      %dma_start3A_854 = tpu.memref_slice %arg2[%select_n3A_846, %add3A_849, %dma_start3A_853] : memref<4x2048x1024xf32, #tpu.memory_space<hbm>> -> memref<1x16x1024xf32, #tpu.memory_space<hbm>>
      %dma_start3A_855 = tpu.memref_squeeze %dma_start3A_854 : memref<1x16x1024xf32, #tpu.memory_space<hbm>> -> memref<16x1024xf32, #tpu.memory_space<hbm>>
      tpu.enqueue_dma source(%dma_start3A_855 : memref<16x1024xf32, #tpu.memory_space<hbm>>) target(%arg8 : memref<16x1024xf32, #tpu.memory_space<vmem>>) target_semaphore(%arg11 : memref<!tpu.dma_semaphore, #tpu.memory_space<semaphore_mem>>)
    }
    %scan3A_243 = arith.constant 3 : i32
    %add3A_244 = arith.constant 16 : i32
    %add3A_245 = arith.addi %mul3A_2, %add3A_244 : i32
    %dma_wait3A_246 = arith.constant 3 : i32
    %dma_wait3A_247 = arith.constant 0 : i32
    %dma_wait3A_248 = tpu.memref_slice %arg2[%dma_wait3A_246, %add3A_245, %dma_wait3A_247] : memref<4x2048x1024xf32, #tpu.memory_space<hbm>> -> memref<1x16x1024xf32, #tpu.memory_space<hbm>>
    %dma_wait3A_249 = tpu.memref_squeeze %dma_wait3A_248 : memref<1x16x1024xf32, #tpu.memory_space<hbm>> -> memref<16x1024xf32, #tpu.memory_space<hbm>>
    %dma_wait3A_250 = arith.constant 0 : i32
    %dma_wait3A_251 = tpu.memref_slice %arg2[%dma_wait3A_246, %add3A_245, %dma_wait3A_250] : memref<4x2048x1024xf32, #tpu.memory_space<hbm>> -> memref<1x16x1024xf32, #tpu.memory_space<hbm>>
    %dma_wait3A_252 = tpu.memref_squeeze %dma_wait3A_251 : memref<1x16x1024xf32, #tpu.memory_space<hbm>> -> memref<16x1024xf32, #tpu.memory_space<hbm>>
    tpu.wait_dma2 semaphore(%arg10 : memref<!tpu.dma_semaphore, #tpu.memory_space<semaphore_mem>>) src(%dma_wait3A_252 : memref<16x1024xf32, #tpu.memory_space<hbm>>) dst(%arg7 : memref<16x1024xf32, #tpu.memory_space<vmem>>)
    %parallel_loop3A_253 = arith.constant 0 : i32
    %parallel_loop3A_254 = arith.constant 16384 : i32
    %parallel_loop3A_255 = arith.constant 16 : i32
    scf.for %parallel_loop3A_346 = %parallel_loop3A_253 to %parallel_loop3A_254 step %parallel_loop3A_255  : i32 {
      %parallel_loop3A_347 = arith.constant 1024 : i32
      %parallel_loop3A_348 = arith.divsi %parallel_loop3A_346, %parallel_loop3A_347 : i32
      %parallel_loop3A_349 = arith.constant 0 : i32
      %parallel_loop3A_350 = arith.cmpi sgt, %parallel_loop3A_346, %parallel_loop3A_349 : i32
      %parallel_loop3A_351 = arith.extui %parallel_loop3A_350 : i1 to i32
      %parallel_loop3A_352 = arith.constant 0 : i32
      %parallel_loop3A_353 = arith.cmpi slt, %parallel_loop3A_346, %parallel_loop3A_352 : i32
      %parallel_loop3A_354 = arith.extui %parallel_loop3A_353 : i1 to i32
      %parallel_loop3A_355 = arith.subi %parallel_loop3A_351, %parallel_loop3A_354 : i32
      %parallel_loop3A_356 = arith.constant 0 : i32
      %parallel_loop3A_357 = arith.cmpi sgt, %parallel_loop3A_347, %parallel_loop3A_356 : i32
      %parallel_loop3A_358 = arith.extui %parallel_loop3A_357 : i1 to i32
      %parallel_loop3A_359 = arith.constant 0 : i32
      %parallel_loop3A_360 = arith.cmpi slt, %parallel_loop3A_347, %parallel_loop3A_359 : i32
      %parallel_loop3A_361 = arith.extui %parallel_loop3A_360 : i1 to i32
      %parallel_loop3A_362 = arith.subi %parallel_loop3A_358, %parallel_loop3A_361 : i32
      %parallel_loop3A_363 = arith.cmpi ne, %parallel_loop3A_355, %parallel_loop3A_362 : i32
      %parallel_loop3A_364 = arith.remsi %parallel_loop3A_346, %parallel_loop3A_347 : i32
      %parallel_loop3A_365 = arith.constant 0 : i32
      %parallel_loop3A_366 = arith.cmpi ne, %parallel_loop3A_364, %parallel_loop3A_365 : i32
      %parallel_loop3A_367 = arith.andi %parallel_loop3A_363, %parallel_loop3A_366 : i1
      %parallel_loop3A_368 = arith.constant 1 : i32
      %parallel_loop3A_369 = arith.subi %parallel_loop3A_348, %parallel_loop3A_368 : i32
      %parallel_loop3A_370 = arith.select %parallel_loop3A_367, %parallel_loop3A_369, %parallel_loop3A_348 : i32
      %parallel_loop3A_371 = arith.constant 1024 : i32
      %parallel_loop3A_372 = arith.constant 0 : i32
      %parallel_loop3A_373 = arith.cmpi eq, %parallel_loop3A_371, %parallel_loop3A_372 : i32
      %parallel_loop3A_374 = arith.constant 1 : i32
      %parallel_loop3A_375 = arith.select %parallel_loop3A_373, %parallel_loop3A_374, %parallel_loop3A_371 : i32
      %parallel_loop3A_376 = arith.remsi %parallel_loop3A_346, %parallel_loop3A_375 : i32
      %parallel_loop3A_377 = arith.constant 0 : i32
      %parallel_loop3A_378 = arith.cmpi ne, %parallel_loop3A_376, %parallel_loop3A_377 : i32
      %parallel_loop3A_379 = arith.constant 0 : i32
      %parallel_loop3A_380 = arith.cmpi slt, %parallel_loop3A_376, %parallel_loop3A_379 : i32
      %parallel_loop3A_381 = arith.constant 0 : i32
      %parallel_loop3A_382 = arith.cmpi slt, %parallel_loop3A_375, %parallel_loop3A_381 : i32
      %parallel_loop3A_383 = arith.xori %parallel_loop3A_380, %parallel_loop3A_382 : i1
      %parallel_loop3A_384 = arith.andi %parallel_loop3A_383, %parallel_loop3A_378 : i1
      %parallel_loop3A_385 = arith.addi %parallel_loop3A_376, %parallel_loop3A_375 : i32
      %parallel_loop3A_386 = arith.select %parallel_loop3A_384, %parallel_loop3A_385, %parallel_loop3A_376 : i32
      %parallel_loop3A_387 = arith.constant 16 : i32
      %parallel_loop3A_388 = arith.addi %parallel_loop3A_387, %parallel_loop3A_370 : i32
      %parallel_loop3A_389 = arith.index_cast %parallel_loop3A_388 : i32 to index
      %parallel_loop3A_390 = arith.index_cast %parallel_loop3A_386 : i32 to index
      %parallel_loop3A_391 = tpu.vector_load %arg5[%parallel_loop3A_389, %parallel_loop3A_390] {strides = array<i32>} : memref<64x1024xf32, #tpu.memory_space<vmem>>, vector<1x16xf32>,
      %parallel_loop3A_392 = vector.shape_cast %parallel_loop3A_391 : vector<1x16xf32> to vector<16xf32>
      %parallel_loop3A_393 = arith.index_cast %parallel_loop3A_370 : i32 to index
      %parallel_loop3A_394 = arith.index_cast %parallel_loop3A_386 : i32 to index
      %parallel_loop3A_395 = tpu.vector_load %arg7[%parallel_loop3A_393, %parallel_loop3A_394] {strides = array<i32>} : memref<16x1024xf32, #tpu.memory_space<vmem>>, vector<1x16xf32>,
      %parallel_loop3A_396 = vector.shape_cast %parallel_loop3A_395 : vector<1x16xf32> to vector<16xf32>
      %parallel_loop3A_397 = vector.shape_cast %parallel_loop3A_392 : vector<16xf32> to vector<1x16xf32>
      tpu.vector_store %arg7[%parallel_loop3A_393, %parallel_loop3A_394], %parallel_loop3A_397 {add = true, strides = array<i32>} : memref<16x1024xf32, #tpu.memory_space<vmem>>, vector<1x16xf32>,
    } {sc.loop_unroll_factor = 8 : i64, sc.parallel_access}
    %add3A_256 = arith.constant 16 : i32
    %add3A_257 = arith.addi %mul3A_2, %add3A_256 : i32
    %dma_start3A_258 = arith.constant 3 : i32
    %dma_start3A_259 = arith.constant 0 : i32
    %dma_start3A_260 = tpu.memref_slice %arg4[%dma_start3A_258, %add3A_257, %dma_start3A_259] : memref<4x2048x1024xf32, #tpu.memory_space<hbm>> -> memref<1x16x1024xf32, #tpu.memory_space<hbm>>
    %dma_start3A_261 = tpu.memref_squeeze %dma_start3A_260 : memref<1x16x1024xf32, #tpu.memory_space<hbm>> -> memref<16x1024xf32, #tpu.memory_space<hbm>>
    %dma_start3A_262 = arith.constant 0 : i32
    %dma_start3A_263 = tpu.memref_slice %arg4[%dma_start3A_258, %add3A_257, %dma_start3A_262] : memref<4x2048x1024xf32, #tpu.memory_space<hbm>> -> memref<1x16x1024xf32, #tpu.memory_space<hbm>>
    %dma_start3A_264 = tpu.memref_squeeze %dma_start3A_263 : memref<1x16x1024xf32, #tpu.memory_space<hbm>> -> memref<16x1024xf32, #tpu.memory_space<hbm>>
    tpu.enqueue_dma source(%arg7 : memref<16x1024xf32, #tpu.memory_space<vmem>>) target(%dma_start3A_264 : memref<16x1024xf32, #tpu.memory_space<hbm>>) target_semaphore(%arg13 : memref<!tpu.dma_semaphore, #tpu.memory_space<semaphore_mem>>)
    %add3A_265 = arith.constant 0 : i32
    %add3A_266 = arith.addi %mul3A_2, %add3A_265 : i32
    %dma_wait3A_267 = arith.constant 3 : i32
    %dma_wait3A_268 = arith.constant 0 : i32
    %dma_wait3A_269 = tpu.memref_slice %arg4[%dma_wait3A_267, %add3A_266, %dma_wait3A_268] : memref<4x2048x1024xf32, #tpu.memory_space<hbm>> -> memref<1x16x1024xf32, #tpu.memory_space<hbm>>
    %dma_wait3A_270 = tpu.memref_squeeze %dma_wait3A_269 : memref<1x16x1024xf32, #tpu.memory_space<hbm>> -> memref<16x1024xf32, #tpu.memory_space<hbm>>
    %dma_wait3A_271 = arith.constant 0 : i32
    %dma_wait3A_272 = tpu.memref_slice %arg4[%dma_wait3A_267, %add3A_266, %dma_wait3A_271] : memref<4x2048x1024xf32, #tpu.memory_space<hbm>> -> memref<1x16x1024xf32, #tpu.memory_space<hbm>>
    %dma_wait3A_273 = tpu.memref_squeeze %dma_wait3A_272 : memref<1x16x1024xf32, #tpu.memory_space<hbm>> -> memref<16x1024xf32, #tpu.memory_space<hbm>>
    tpu.wait_dma2 semaphore(%arg12 : memref<!tpu.dma_semaphore, #tpu.memory_space<semaphore_mem>>) src(%arg6 : memref<16x1024xf32, #tpu.memory_space<vmem>>) dst(%dma_wait3A_273 : memref<16x1024xf32, #tpu.memory_space<hbm>>)
    %add3A_274 = arith.constant 48 : i32
    %add3A_275 = arith.addi %mul3A_2, %add3A_274 : i32
    %dma_start3A_276 = arith.constant 3 : i32
    %dma_start3A_277 = arith.constant 0 : i32
    %dma_start3A_278 = tpu.memref_slice %arg2[%dma_start3A_276, %add3A_275, %dma_start3A_277] : memref<4x2048x1024xf32, #tpu.memory_space<hbm>> -> memref<1x16x1024xf32, #tpu.memory_space<hbm>>
    %dma_start3A_279 = tpu.memref_squeeze %dma_start3A_278 : memref<1x16x1024xf32, #tpu.memory_space<hbm>> -> memref<16x1024xf32, #tpu.memory_space<hbm>>
    %dma_start3A_280 = arith.constant 0 : i32
    %dma_start3A_281 = tpu.memref_slice %arg2[%dma_start3A_276, %add3A_275, %dma_start3A_280] : memref<4x2048x1024xf32, #tpu.memory_space<hbm>> -> memref<1x16x1024xf32, #tpu.memory_space<hbm>>
    %dma_start3A_282 = tpu.memref_squeeze %dma_start3A_281 : memref<1x16x1024xf32, #tpu.memory_space<hbm>> -> memref<16x1024xf32, #tpu.memory_space<hbm>>
    tpu.enqueue_dma source(%dma_start3A_282 : memref<16x1024xf32, #tpu.memory_space<hbm>>) target(%arg6 : memref<16x1024xf32, #tpu.memory_space<vmem>>) target_semaphore(%arg9 : memref<!tpu.dma_semaphore, #tpu.memory_space<semaphore_mem>>)
    %add3A_283 = arith.constant 32 : i32
    %add3A_284 = arith.addi %mul3A_2, %add3A_283 : i32
    %dma_wait3A_285 = arith.constant 3 : i32
    %dma_wait3A_286 = arith.constant 0 : i32
    %dma_wait3A_287 = tpu.memref_slice %arg2[%dma_wait3A_285, %add3A_284, %dma_wait3A_286] : memref<4x2048x1024xf32, #tpu.memory_space<hbm>> -> memref<1x16x1024xf32, #tpu.memory_space<hbm>>
    %dma_wait3A_288 = tpu.memref_squeeze %dma_wait3A_287 : memref<1x16x1024xf32, #tpu.memory_space<hbm>> -> memref<16x1024xf32, #tpu.memory_space<hbm>>
    %dma_wait3A_289 = arith.constant 0 : i32
    %dma_wait3A_290 = tpu.memref_slice %arg2[%dma_wait3A_285, %add3A_284, %dma_wait3A_289] : memref<4x2048x1024xf32, #tpu.memory_space<hbm>> -> memref<1x16x1024xf32, #tpu.memory_space<hbm>>
    %dma_wait3A_291 = tpu.memref_squeeze %dma_wait3A_290 : memref<1x16x1024xf32, #tpu.memory_space<hbm>> -> memref<16x1024xf32, #tpu.memory_space<hbm>>
    tpu.wait_dma2 semaphore(%arg11 : memref<!tpu.dma_semaphore, #tpu.memory_space<semaphore_mem>>) src(%dma_wait3A_291 : memref<16x1024xf32, #tpu.memory_space<hbm>>) dst(%arg8 : memref<16x1024xf32, #tpu.memory_space<vmem>>)
    %parallel_loop3A_292 = arith.constant 0 : i32
    %parallel_loop3A_293 = arith.constant 16384 : i32
    %parallel_loop3A_294 = arith.constant 16 : i32
    scf.for %parallel_loop3A_346 = %parallel_loop3A_292 to %parallel_loop3A_293 step %parallel_loop3A_294  : i32 {
      %parallel_loop3A_347 = arith.constant 1024 : i32
      %parallel_loop3A_348 = arith.divsi %parallel_loop3A_346, %parallel_loop3A_347 : i32
      %parallel_loop3A_349 = arith.constant 0 : i32
      %parallel_loop3A_350 = arith.cmpi sgt, %parallel_loop3A_346, %parallel_loop3A_349 : i32
      %parallel_loop3A_351 = arith.extui %parallel_loop3A_350 : i1 to i32
      %parallel_loop3A_352 = arith.constant 0 : i32
      %parallel_loop3A_353 = arith.cmpi slt, %parallel_loop3A_346, %parallel_loop3A_352 : i32
      %parallel_loop3A_354 = arith.extui %parallel_loop3A_353 : i1 to i32
      %parallel_loop3A_355 = arith.subi %parallel_loop3A_351, %parallel_loop3A_354 : i32
      %parallel_loop3A_356 = arith.constant 0 : i32
      %parallel_loop3A_357 = arith.cmpi sgt, %parallel_loop3A_347, %parallel_loop3A_356 : i32
      %parallel_loop3A_358 = arith.extui %parallel_loop3A_357 : i1 to i32
      %parallel_loop3A_359 = arith.constant 0 : i32
      %parallel_loop3A_360 = arith.cmpi slt, %parallel_loop3A_347, %parallel_loop3A_359 : i32
      %parallel_loop3A_361 = arith.extui %parallel_loop3A_360 : i1 to i32
      %parallel_loop3A_362 = arith.subi %parallel_loop3A_358, %parallel_loop3A_361 : i32
      %parallel_loop3A_363 = arith.cmpi ne, %parallel_loop3A_355, %parallel_loop3A_362 : i32
      %parallel_loop3A_364 = arith.remsi %parallel_loop3A_346, %parallel_loop3A_347 : i32
      %parallel_loop3A_365 = arith.constant 0 : i32
      %parallel_loop3A_366 = arith.cmpi ne, %parallel_loop3A_364, %parallel_loop3A_365 : i32
      %parallel_loop3A_367 = arith.andi %parallel_loop3A_363, %parallel_loop3A_366 : i1
      %parallel_loop3A_368 = arith.constant 1 : i32
      %parallel_loop3A_369 = arith.subi %parallel_loop3A_348, %parallel_loop3A_368 : i32
      %parallel_loop3A_370 = arith.select %parallel_loop3A_367, %parallel_loop3A_369, %parallel_loop3A_348 : i32
      %parallel_loop3A_371 = arith.constant 1024 : i32
      %parallel_loop3A_372 = arith.constant 0 : i32
      %parallel_loop3A_373 = arith.cmpi eq, %parallel_loop3A_371, %parallel_loop3A_372 : i32
      %parallel_loop3A_374 = arith.constant 1 : i32
      %parallel_loop3A_375 = arith.select %parallel_loop3A_373, %parallel_loop3A_374, %parallel_loop3A_371 : i32
      %parallel_loop3A_376 = arith.remsi %parallel_loop3A_346, %parallel_loop3A_375 : i32
      %parallel_loop3A_377 = arith.constant 0 : i32
      %parallel_loop3A_378 = arith.cmpi ne, %parallel_loop3A_376, %parallel_loop3A_377 : i32
      %parallel_loop3A_379 = arith.constant 0 : i32
      %parallel_loop3A_380 = arith.cmpi slt, %parallel_loop3A_376, %parallel_loop3A_379 : i32
      %parallel_loop3A_381 = arith.constant 0 : i32
      %parallel_loop3A_382 = arith.cmpi slt, %parallel_loop3A_375, %parallel_loop3A_381 : i32
      %parallel_loop3A_383 = arith.xori %parallel_loop3A_380, %parallel_loop3A_382 : i1
      %parallel_loop3A_384 = arith.andi %parallel_loop3A_383, %parallel_loop3A_378 : i1
      %parallel_loop3A_385 = arith.addi %parallel_loop3A_376, %parallel_loop3A_375 : i32
      %parallel_loop3A_386 = arith.select %parallel_loop3A_384, %parallel_loop3A_385, %parallel_loop3A_376 : i32
      %parallel_loop3A_387 = arith.constant 32 : i32
      %parallel_loop3A_388 = arith.addi %parallel_loop3A_387, %parallel_loop3A_370 : i32
      %parallel_loop3A_389 = arith.index_cast %parallel_loop3A_388 : i32 to index
      %parallel_loop3A_390 = arith.index_cast %parallel_loop3A_386 : i32 to index
      %parallel_loop3A_391 = tpu.vector_load %arg5[%parallel_loop3A_389, %parallel_loop3A_390] {strides = array<i32>} : memref<64x1024xf32, #tpu.memory_space<vmem>>, vector<1x16xf32>,
      %parallel_loop3A_392 = vector.shape_cast %parallel_loop3A_391 : vector<1x16xf32> to vector<16xf32>
      %parallel_loop3A_393 = arith.index_cast %parallel_loop3A_370 : i32 to index
      %parallel_loop3A_394 = arith.index_cast %parallel_loop3A_386 : i32 to index
      %parallel_loop3A_395 = tpu.vector_load %arg8[%parallel_loop3A_393, %parallel_loop3A_394] {strides = array<i32>} : memref<16x1024xf32, #tpu.memory_space<vmem>>, vector<1x16xf32>,
      %parallel_loop3A_396 = vector.shape_cast %parallel_loop3A_395 : vector<1x16xf32> to vector<16xf32>
      %parallel_loop3A_397 = vector.shape_cast %parallel_loop3A_392 : vector<16xf32> to vector<1x16xf32>
      tpu.vector_store %arg8[%parallel_loop3A_393, %parallel_loop3A_394], %parallel_loop3A_397 {add = true, strides = array<i32>} : memref<16x1024xf32, #tpu.memory_space<vmem>>, vector<1x16xf32>,
    } {sc.loop_unroll_factor = 8 : i64, sc.parallel_access}
    %add3A_295 = arith.constant 32 : i32
    %add3A_296 = arith.addi %mul3A_2, %add3A_295 : i32
    %dma_start3A_297 = arith.constant 3 : i32
    %dma_start3A_298 = arith.constant 0 : i32
    %dma_start3A_299 = tpu.memref_slice %arg4[%dma_start3A_297, %add3A_296, %dma_start3A_298] : memref<4x2048x1024xf32, #tpu.memory_space<hbm>> -> memref<1x16x1024xf32, #tpu.memory_space<hbm>>
    %dma_start3A_300 = tpu.memref_squeeze %dma_start3A_299 : memref<1x16x1024xf32, #tpu.memory_space<hbm>> -> memref<16x1024xf32, #tpu.memory_space<hbm>>
    %dma_start3A_301 = arith.constant 0 : i32
    %dma_start3A_302 = tpu.memref_slice %arg4[%dma_start3A_297, %add3A_296, %dma_start3A_301] : memref<4x2048x1024xf32, #tpu.memory_space<hbm>> -> memref<1x16x1024xf32, #tpu.memory_space<hbm>>
    %dma_start3A_303 = tpu.memref_squeeze %dma_start3A_302 : memref<1x16x1024xf32, #tpu.memory_space<hbm>> -> memref<16x1024xf32, #tpu.memory_space<hbm>>
    tpu.enqueue_dma source(%arg8 : memref<16x1024xf32, #tpu.memory_space<vmem>>) target(%dma_start3A_303 : memref<16x1024xf32, #tpu.memory_space<hbm>>) target_semaphore(%arg14 : memref<!tpu.dma_semaphore, #tpu.memory_space<semaphore_mem>>)
    %add3A_304 = arith.constant 48 : i32
    %add3A_305 = arith.addi %mul3A_2, %add3A_304 : i32
    %dma_wait3A_306 = arith.constant 3 : i32
    %dma_wait3A_307 = arith.constant 0 : i32
    %dma_wait3A_308 = tpu.memref_slice %arg2[%dma_wait3A_306, %add3A_305, %dma_wait3A_307] : memref<4x2048x1024xf32, #tpu.memory_space<hbm>> -> memref<1x16x1024xf32, #tpu.memory_space<hbm>>
    %dma_wait3A_309 = tpu.memref_squeeze %dma_wait3A_308 : memref<1x16x1024xf32, #tpu.memory_space<hbm>> -> memref<16x1024xf32, #tpu.memory_space<hbm>>
    %dma_wait3A_310 = arith.constant 0 : i32
    %dma_wait3A_311 = tpu.memref_slice %arg2[%dma_wait3A_306, %add3A_305, %dma_wait3A_310] : memref<4x2048x1024xf32, #tpu.memory_space<hbm>> -> memref<1x16x1024xf32, #tpu.memory_space<hbm>>
    %dma_wait3A_312 = tpu.memref_squeeze %dma_wait3A_311 : memref<1x16x1024xf32, #tpu.memory_space<hbm>> -> memref<16x1024xf32, #tpu.memory_space<hbm>>
    tpu.wait_dma2 semaphore(%arg9 : memref<!tpu.dma_semaphore, #tpu.memory_space<semaphore_mem>>) src(%dma_wait3A_312 : memref<16x1024xf32, #tpu.memory_space<hbm>>) dst(%arg6 : memref<16x1024xf32, #tpu.memory_space<vmem>>)
    %parallel_loop3A_313 = arith.constant 0 : i32
    %parallel_loop3A_314 = arith.constant 16384 : i32
    %parallel_loop3A_315 = arith.constant 16 : i32
    scf.for %parallel_loop3A_346 = %parallel_loop3A_313 to %parallel_loop3A_314 step %parallel_loop3A_315  : i32 {
      %parallel_loop3A_347 = arith.constant 1024 : i32
      %parallel_loop3A_348 = arith.divsi %parallel_loop3A_346, %parallel_loop3A_347 : i32
      %parallel_loop3A_349 = arith.constant 0 : i32
      %parallel_loop3A_350 = arith.cmpi sgt, %parallel_loop3A_346, %parallel_loop3A_349 : i32
      %parallel_loop3A_351 = arith.extui %parallel_loop3A_350 : i1 to i32
      %parallel_loop3A_352 = arith.constant 0 : i32
      %parallel_loop3A_353 = arith.cmpi slt, %parallel_loop3A_346, %parallel_loop3A_352 : i32
      %parallel_loop3A_354 = arith.extui %parallel_loop3A_353 : i1 to i32
      %parallel_loop3A_355 = arith.subi %parallel_loop3A_351, %parallel_loop3A_354 : i32
      %parallel_loop3A_356 = arith.constant 0 : i32
      %parallel_loop3A_357 = arith.cmpi sgt, %parallel_loop3A_347, %parallel_loop3A_356 : i32
      %parallel_loop3A_358 = arith.extui %parallel_loop3A_357 : i1 to i32
      %parallel_loop3A_359 = arith.constant 0 : i32
      %parallel_loop3A_360 = arith.cmpi slt, %parallel_loop3A_347, %parallel_loop3A_359 : i32
      %parallel_loop3A_361 = arith.extui %parallel_loop3A_360 : i1 to i32
      %parallel_loop3A_362 = arith.subi %parallel_loop3A_358, %parallel_loop3A_361 : i32
      %parallel_loop3A_363 = arith.cmpi ne, %parallel_loop3A_355, %parallel_loop3A_362 : i32
      %parallel_loop3A_364 = arith.remsi %parallel_loop3A_346, %parallel_loop3A_347 : i32
      %parallel_loop3A_365 = arith.constant 0 : i32
      %parallel_loop3A_366 = arith.cmpi ne, %parallel_loop3A_364, %parallel_loop3A_365 : i32
      %parallel_loop3A_367 = arith.andi %parallel_loop3A_363, %parallel_loop3A_366 : i1
      %parallel_loop3A_368 = arith.constant 1 : i32
      %parallel_loop3A_369 = arith.subi %parallel_loop3A_348, %parallel_loop3A_368 : i32
      %parallel_loop3A_370 = arith.select %parallel_loop3A_367, %parallel_loop3A_369, %parallel_loop3A_348 : i32
      %parallel_loop3A_371 = arith.constant 1024 : i32
      %parallel_loop3A_372 = arith.constant 0 : i32
      %parallel_loop3A_373 = arith.cmpi eq, %parallel_loop3A_371, %parallel_loop3A_372 : i32
      %parallel_loop3A_374 = arith.constant 1 : i32
      %parallel_loop3A_375 = arith.select %parallel_loop3A_373, %parallel_loop3A_374, %parallel_loop3A_371 : i32
      %parallel_loop3A_376 = arith.remsi %parallel_loop3A_346, %parallel_loop3A_375 : i32
      %parallel_loop3A_377 = arith.constant 0 : i32
      %parallel_loop3A_378 = arith.cmpi ne, %parallel_loop3A_376, %parallel_loop3A_377 : i32
      %parallel_loop3A_379 = arith.constant 0 : i32
      %parallel_loop3A_380 = arith.cmpi slt, %parallel_loop3A_376, %parallel_loop3A_379 : i32
      %parallel_loop3A_381 = arith.constant 0 : i32
      %parallel_loop3A_382 = arith.cmpi slt, %parallel_loop3A_375, %parallel_loop3A_381 : i32
      %parallel_loop3A_383 = arith.xori %parallel_loop3A_380, %parallel_loop3A_382 : i1
      %parallel_loop3A_384 = arith.andi %parallel_loop3A_383, %parallel_loop3A_378 : i1
      %parallel_loop3A_385 = arith.addi %parallel_loop3A_376, %parallel_loop3A_375 : i32
      %parallel_loop3A_386 = arith.select %parallel_loop3A_384, %parallel_loop3A_385, %parallel_loop3A_376 : i32
      %parallel_loop3A_387 = arith.constant 48 : i32
      %parallel_loop3A_388 = arith.addi %parallel_loop3A_387, %parallel_loop3A_370 : i32
      %parallel_loop3A_389 = arith.index_cast %parallel_loop3A_388 : i32 to index
      %parallel_loop3A_390 = arith.index_cast %parallel_loop3A_386 : i32 to index
      %parallel_loop3A_391 = tpu.vector_load %arg5[%parallel_loop3A_389, %parallel_loop3A_390] {strides = array<i32>} : memref<64x1024xf32, #tpu.memory_space<vmem>>, vector<1x16xf32>,
      %parallel_loop3A_392 = vector.shape_cast %parallel_loop3A_391 : vector<1x16xf32> to vector<16xf32>
      %parallel_loop3A_393 = arith.index_cast %parallel_loop3A_370 : i32 to index
      %parallel_loop3A_394 = arith.index_cast %parallel_loop3A_386 : i32 to index
      %parallel_loop3A_395 = tpu.vector_load %arg6[%parallel_loop3A_393, %parallel_loop3A_394] {strides = array<i32>} : memref<16x1024xf32, #tpu.memory_space<vmem>>, vector<1x16xf32>,
      %parallel_loop3A_396 = vector.shape_cast %parallel_loop3A_395 : vector<1x16xf32> to vector<16xf32>
      %parallel_loop3A_397 = vector.shape_cast %parallel_loop3A_392 : vector<16xf32> to vector<1x16xf32>
      tpu.vector_store %arg6[%parallel_loop3A_393, %parallel_loop3A_394], %parallel_loop3A_397 {add = true, strides = array<i32>} : memref<16x1024xf32, #tpu.memory_space<vmem>>, vector<1x16xf32>,
    } {sc.loop_unroll_factor = 8 : i64, sc.parallel_access}
    %add3A_316 = arith.constant 48 : i32
    %add3A_317 = arith.addi %mul3A_2, %add3A_316 : i32
    %dma_start3A_318 = arith.constant 3 : i32
    %dma_start3A_319 = arith.constant 0 : i32
    %dma_start3A_320 = tpu.memref_slice %arg4[%dma_start3A_318, %add3A_317, %dma_start3A_319] : memref<4x2048x1024xf32, #tpu.memory_space<hbm>> -> memref<1x16x1024xf32, #tpu.memory_space<hbm>>
    %dma_start3A_321 = tpu.memref_squeeze %dma_start3A_320 : memref<1x16x1024xf32, #tpu.memory_space<hbm>> -> memref<16x1024xf32, #tpu.memory_space<hbm>>
    %dma_start3A_322 = arith.constant 0 : i32
    %dma_start3A_323 = tpu.memref_slice %arg4[%dma_start3A_318, %add3A_317, %dma_start3A_322] : memref<4x2048x1024xf32, #tpu.memory_space<hbm>> -> memref<1x16x1024xf32, #tpu.memory_space<hbm>>
    %dma_start3A_324 = tpu.memref_squeeze %dma_start3A_323 : memref<1x16x1024xf32, #tpu.memory_space<hbm>> -> memref<16x1024xf32, #tpu.memory_space<hbm>>
    tpu.enqueue_dma source(%arg6 : memref<16x1024xf32, #tpu.memory_space<vmem>>) target(%dma_start3A_324 : memref<16x1024xf32, #tpu.memory_space<hbm>>) target_semaphore(%arg12 : memref<!tpu.dma_semaphore, #tpu.memory_space<semaphore_mem>>)
    %dma_wait3A_325 = arith.constant 3 : i32
    %dma_wait3A_326 = arith.constant 0 : i32
    %dma_wait3A_327 = tpu.memref_slice %arg4[%dma_wait3A_325, %add3A_257, %dma_wait3A_326] : memref<4x2048x1024xf32, #tpu.memory_space<hbm>> -> memref<1x16x1024xf32, #tpu.memory_space<hbm>>
    %dma_wait3A_328 = tpu.memref_squeeze %dma_wait3A_327 : memref<1x16x1024xf32, #tpu.memory_space<hbm>> -> memref<16x1024xf32, #tpu.memory_space<hbm>>
    %dma_wait3A_329 = arith.constant 0 : i32
    %dma_wait3A_330 = tpu.memref_slice %arg4[%dma_wait3A_325, %add3A_257, %dma_wait3A_329] : memref<4x2048x1024xf32, #tpu.memory_space<hbm>> -> memref<1x16x1024xf32, #tpu.memory_space<hbm>>
    %dma_wait3A_331 = tpu.memref_squeeze %dma_wait3A_330 : memref<1x16x1024xf32, #tpu.memory_space<hbm>> -> memref<16x1024xf32, #tpu.memory_space<hbm>>
    tpu.wait_dma2 semaphore(%arg13 : memref<!tpu.dma_semaphore, #tpu.memory_space<semaphore_mem>>) src(%arg7 : memref<16x1024xf32, #tpu.memory_space<vmem>>) dst(%dma_wait3A_331 : memref<16x1024xf32, #tpu.memory_space<hbm>>)
    %dma_wait3A_332 = arith.constant 3 : i32
    %dma_wait3A_333 = arith.constant 0 : i32
    %dma_wait3A_334 = tpu.memref_slice %arg4[%dma_wait3A_332, %add3A_296, %dma_wait3A_333] : memref<4x2048x1024xf32, #tpu.memory_space<hbm>> -> memref<1x16x1024xf32, #tpu.memory_space<hbm>>
    %dma_wait3A_335 = tpu.memref_squeeze %dma_wait3A_334 : memref<1x16x1024xf32, #tpu.memory_space<hbm>> -> memref<16x1024xf32, #tpu.memory_space<hbm>>
    %dma_wait3A_336 = arith.constant 0 : i32
    %dma_wait3A_337 = tpu.memref_slice %arg4[%dma_wait3A_332, %add3A_296, %dma_wait3A_336] : memref<4x2048x1024xf32, #tpu.memory_space<hbm>> -> memref<1x16x1024xf32, #tpu.memory_space<hbm>>
    %dma_wait3A_338 = tpu.memref_squeeze %dma_wait3A_337 : memref<1x16x1024xf32, #tpu.memory_space<hbm>> -> memref<16x1024xf32, #tpu.memory_space<hbm>>
    tpu.wait_dma2 semaphore(%arg14 : memref<!tpu.dma_semaphore, #tpu.memory_space<semaphore_mem>>) src(%arg8 : memref<16x1024xf32, #tpu.memory_space<vmem>>) dst(%dma_wait3A_338 : memref<16x1024xf32, #tpu.memory_space<hbm>>)
    %dma_wait3A_339 = arith.constant 3 : i32
    %dma_wait3A_340 = arith.constant 0 : i32
    %dma_wait3A_341 = tpu.memref_slice %arg4[%dma_wait3A_339, %add3A_317, %dma_wait3A_340] : memref<4x2048x1024xf32, #tpu.memory_space<hbm>> -> memref<1x16x1024xf32, #tpu.memory_space<hbm>>
    %dma_wait3A_342 = tpu.memref_squeeze %dma_wait3A_341 : memref<1x16x1024xf32, #tpu.memory_space<hbm>> -> memref<16x1024xf32, #tpu.memory_space<hbm>>
    %dma_wait3A_343 = arith.constant 0 : i32
    %dma_wait3A_344 = tpu.memref_slice %arg4[%dma_wait3A_339, %add3A_317, %dma_wait3A_343] : memref<4x2048x1024xf32, #tpu.memory_space<hbm>> -> memref<1x16x1024xf32, #tpu.memory_space<hbm>>
    %dma_wait3A_345 = tpu.memref_squeeze %dma_wait3A_344 : memref<1x16x1024xf32, #tpu.memory_space<hbm>> -> memref<16x1024xf32, #tpu.memory_space<hbm>>
    tpu.wait_dma2 semaphore(%arg12 : memref<!tpu.dma_semaphore, #tpu.memory_space<semaphore_mem>>) src(%arg6 : memref<16x1024xf32, #tpu.memory_space<vmem>>) dst(%dma_wait3A_345 : memref<16x1024xf32, #tpu.memory_space<hbm>>)
    return
  }
}

</mosaic_0001>

<sc_bundles>
// kernel: kernel.3.cloned.1.call-start
scs
__scs_entry_jumppad:
0x0: {  	(pc) =	sbr.rel $0x88, $3  }
0x1: {  	(tag) =	ssettag $0x0;
	lr =	simm.s32 $0x1  }
0x2: {  	[smem:$0x3F9F] =	sst lr;
	_ =	strace $0xD0000000  }
0x3: {  	_ = 	snop  }
0x4: {  	_ = 	snop  }
0x5: {  	_ = 	snop  }
0x6: {  	_ = 	snop  }
0x7: {  	_ = 	snop  }
__scs_overlays_trampoline_lowered:
0x8: {  	[smem:$0x3FAE] =	sst s0  }
0x9: {  	[smem:$0x3FAF] =	sst s1  }
0xa: {  	[smem:$0x3FB0] =	sst s2  }
0xb: {  	[smem:$0x3FB1] =	sst s3  }
0xc: {  	[smem:$0x3FB2] =	sst s4  }
0xd: {  	[smem:$0x3FB3] =	sst s5  }
0xe: {  	[smem:$0x3FB4] =	sst s6  }
0xf: {  	[smem:$0x3FB5] =	sst s7  }
0x10: {  	[smem:$0x3FB6] =	sst s8  }
0x11: {  	[smem:$0x3FB7] =	sst s9;
	s0 =	simm.s32 @!p0 $0x0  }
0x12: {  	s1 =	sld [smem:$0x3F9D];
	s0 =	simm.s32 @p0 $0x1  }
0x13: {  	[smem:$0x3FB8] =	sst s0;
	s0 =	simm.s32 @!p1 $0x0  }
0x14: {  	s2 =	sld [smem:$0x3F9C];
	s0 =	simm.s32 @p1 $0x1  }
0x15: {  	[smem:$0x3FB9] =	sst s0;
	s0 =	simm.s32 @!p2 $0x0  }
0x16: {  	s3 =	sld [smem:$0x3FDB];
	s0 =	simm.s32 @p2 $0x1  }
0x17: {  	s4 =	simm.s32 $0x1BF5;
	[smem:$0x3FBB] =	sst s0  }
0x18: {  	s0 =	sld [smem:$0x3F9E];
	_ =	swait.ge [sflag:s4], $0x0  }
0x19: {  	s7 =	sld [smem:$0x3F9F]  }
0x1a: {  	s8 =	sadd.s32 $0xFFFFE003, lr  }
0x1b: {  	s9 =	sadd.s32 $0xFFFFFEF7, lr;
	s5 =	simm.s32 $0xFFFFFFFF;
	p2 =	slt.u32 s8, $0xFFFFF086  }
0x1c: {  	p1 =	slt.u32 s9, $0xF7A;
	s5 =	simm.s32 @!p2 $0x0  }
0x1d: {  	s5 =	simm.s32 @p1 $0x1;
	p0 =	seq.s32 s7, s2  }
0x1e: {  	s7 =	smul.u32 @!p0 $0xF7A, s2;
	p2 =	seq.s32 @!p0 s5, $0x0  }
0x1f: {  	s9 =	smul.u32 $0xF7A, s1;
	s8 =	simm.s32 @!p0 $0x1BF5;
	p2 =	por !p2, p0  }
0x20: {  	[sflag:s8] =	ssyncset.s32 @!p0 $0xFFFFF086;
	s6 =	sadd.s32 @!p0 s3, s7;
	s7 =	simm.s32 @!p0 $0x108  }
0x21: {  	s3 =	sadd.s32 s3, s9;
	s6 =	sadd.s32 @!p0 $0x88, s6;
	s7 =	simm.s32 @p2 $0x1082  }
0x22: {  	[simem:s7], [sflag:s8] =	dma.local @!p0 [hbm:s6], $0xF7A  }
0x23: {  	s9 =	sor.u32 $0xD0000000, s2;
	s6 =	simm.s32 $0x108;
	_ =	swait.ge @!p0 [sflag:s8], $0x0  }
0x24: {  	s3 =	sadd.s32 $0x88, s3;
	s6 =	simm.s32 @!p1 $0x1082;
	[sflag:s4] =	ssyncset.s32 $0xFFFFF086  }
0x25: {  	[simem:s6], [sflag:s4] =	dma.local [hbm:s3], $0xF7A  }
0x26: {  	[smem:$0x3F9F] =	sst s1;
	(tag) =	ssettag s2;
	_ =	strace s9  }
0x27: {  	s1 =	sld [smem:$0x3FAF]  }
0x28: {  	s2 =	sld [smem:$0x3FB0]  }
0x29: {  	s4 =	sld [smem:$0x3FB2]  }
0x2a: {  	p0 =	seq.s32 s5, $0x0;
	s5 =	sld [smem:$0x3FB3]  }
0x2b: {  	s6 =	sld [smem:$0x3FB4]  }
0x2c: {  	s7 =	sld [smem:$0x3FB5]  }
0x2d: {  	s3 =	simm.s32 $0x108;
	s8 =	sld [smem:$0x3FB6]  }
0x2e: {  	s3 =	simm.s32 @!p0 $0x1082;
	s9 =	sld [smem:$0x3FB7]  }
0x2f: {  	lr =	sadd.s32 s0, s3;
	s0 =	sld [smem:$0x3FAE]  }
0x30: {  	s3 =	sld [smem:$0x3FB1]  }
0x31: {  	[smem:$0x3FBA] =	sst s10  }
0x32: {  	s10 =	sld [smem:$0x3FB8];
	_ =	sdelay $0x3  }
0x33: {  	p0 =	seq.s32 s10, $0x1;
	s10 =	sld [smem:$0x3FBA];
	_ =	sdelay $0x3  }
0x34: {  	[smem:$0x3FBA] =	sst s10  }
0x35: {  	s10 =	sld [smem:$0x3FB9];
	_ =	sdelay $0x3  }
0x36: {  	p1 =	seq.s32 s10, $0x1;
	s10 =	sld [smem:$0x3FBA];
	_ =	sdelay $0x3  }
0x37: {  	[smem:$0x3FBA] =	sst s10  }
0x38: {  	s10 =	sld [smem:$0x3FBB]  }
0x39: {  	_ = 	snop;
	(pc) =	sbr.ind lr, $3  }
0x3a: {  	_ = 	snop  }
0x3b: {  	_ = 	snop  }
0x3c: {  	p2 =	seq.s32 s10, $0x1;
	s10 =	sld [smem:$0x3FBA]  }
0x3d: {  	_ =	shalt  }
0x3e: {  	_ =	shalt  }
0x3f: {  	_ =	shalt  }
0x40: {  	_ =	shalt  }
0x41: {  	_ =	shalt  }
0x42: {  	_ =	shalt  }
0x43: {  	_ =	shalt  }
0x44: {  	_ =	shalt  }
0x45: {  	_ =	shalt  }
0x46: {  	_ =	shalt  }
0x47: {  	_ =	shalt  }
0x48: {  	_ =	shalt  }
0x49: {  	_ =	shalt  }
0x4a: {  	_ =	shalt  }
0x4b: {  	_ =	shalt  }
0x4c: {  	_ =	shalt  }
0x4d: {  	_ =	shalt  }
0x4e: {  	_ =	shalt  }
0x4f: {  	_ =	shalt  }
0x50: {  	_ =	shalt  }
0x51: {  	_ =	shalt  }
0x52: {  	_ =	shalt  }
0x53: {  	_ =	shalt  }
0x54: {  	_ =	shalt  }
0x55: {  	_ =	shalt  }
0x56: {  	_ =	shalt  }
0x57: {  	_ =	shalt  }
0x58: {  	_ =	shalt  }
0x59: {  	_ =	shalt  }
0x5a: {  	_ =	shalt  }
0x5b: {  	_ =	shalt  }
0x5c: {  	_ =	shalt  }
0x5d: {  	_ =	shalt  }
0x5e: {  	_ =	shalt  }
0x5f: {  	_ =	shalt  }
0x60: {  	_ =	shalt  }
0x61: {  	_ =	shalt  }
0x62: {  	_ =	shalt  }
0x63: {  	_ =	shalt  }
0x64: {  	_ =	shalt  }
0x65: {  	_ =	shalt  }
0x66: {  	_ =	shalt  }
0x67: {  	_ =	shalt  }
0x68: {  	_ =	shalt  }
0x69: {  	_ =	shalt  }
0x6a: {  	_ =	shalt  }
0x6b: {  	_ =	shalt  }
0x6c: {  	_ =	shalt  }
0x6d: {  	_ =	shalt  }
0x6e: {  	_ =	shalt  }
0x6f: {  	_ =	shalt  }
0x70: {  	_ =	shalt  }
0x71: {  	_ =	shalt  }
0x72: {  	_ =	shalt  }
0x73: {  	_ =	shalt  }
0x74: {  	_ =	shalt  }
0x75: {  	_ =	shalt  }
0x76: {  	_ =	shalt  }
0x77: {  	_ =	shalt  }
0x78: {  	_ =	shalt  }
0x79: {  	_ =	shalt  }
0x7a: {  	_ =	shalt  }
0x7b: {  	_ =	shalt  }
0x7c: {  	_ =	shalt  }
0x7d: {  	_ =	shalt  }
0x7e: {  	_ =	shalt  }
0x7f: {  	_ =	shalt  }
0x80: {  	_ =	shalt  }
0x81: {  	_ =	shalt  }
0x82: {  	_ =	shalt  }
0x83: {  	_ =	shalt  }
0x84: {  	_ =	shalt  }
0x85: {  	_ =	shalt  }
0x86: {  	_ =	shalt  }
0x87: {  	_ =	shalt  }
.Lfunc_end0:
.L_simem_size_0:
called_computation_lowered:
.L_overlay_start_0:
0x88: {  	s2 =	sld [smem:$0x3FD9]  }
0x89: {  	s3 =	sld [smem:$0x3FFE];
	_ =	sdelay $0x1  }
0x8a: {  	s1 =	srdreg.scid  }
0x8b: {  	s0 =	sand.u32 $0x1, s1  }
0x8c: {  	s18 =	sshll.u32 s0, $0xA;
	s2 =	sadd.s32 s3, s2  }
0x8d: {  	s2 =	sadd.s32 s2, s18  }
0x8e: {  	[smem:$0x3FC6] =	sst s2  }
0x8f: {  	_ = 	snop  }
0x90: {  	s2 =	sld [smem:$0x3FC9]  }
0x91: {  	s19 =	sld [smem:$0x3FC8]  }
0x92: {  	s4 =	sld [smem:$0x3FD0];
	(tm) =	ssettm $0x1  }
0x93: {  	s5 =	sld [smem:$0x3FFB];
	_ =	sdelay $0x3  }
0x94: {  	_ =	strace s5  }
0x95: {  	s5 =	sld [smem:$0x3FFC];
	_ =	sdelay $0x3  }
0x96: {  	_ =	strace s5  }
0x97: {  	s5 =	sld [smem:$0x3FFD];
	_ =	sdelay $0x3  }
0x98: {  	_ =	strace s5  }
0x99: {  	_ =	strace $0x8FFFFFFF  }
0x9a: {  	s20 =	sld [smem:$0x3FDB];
	_ =	sdelay $0x1  }
0x9b: {  	s6 =	simm.s32 $_scs_section_size  }
0x9c: {  	s7 =	simm.s32 $_size__tile_overlayer_lowered;
	s8 =	simm.s32 $_tile_overlayer_lowered  }
0x9d: {  	s23 =	simm.s32 $0x1BFF;
	s22 =	sshll.u32 s8, $0x1;
	s5 =	sadd.s32 s6, s20  }
0x9e: {  	s9 =	simm.s32 $0x0;
	s21 =	sshll.u32 s7, $0x1;
	s7 =	sadd.s32 s22, s5  }
0x9f: {  	[timem:s9], [sflag:s23] =	dma.local [hbm:s7], s21  }
0xa0: {  	_ =	swait.ge [sflag:s23], s21  }
0xa1: {  	s6 =	ssub.s32 $0x0, s21;
	[sflag:s23] =	ssyncset.done $0x0  }
0xa2: {  	[sflag:s23] =	ssyncadd.s32 s6;
	_ =	sdelay $0x1  }
0xa3: {  	s24 =	simm.s32 $0x1B8B  }
0xa4: {  	_ =	swait.ge [sflag:s24], $0x1  }
0xa5: {  	[sflag:s24] =	ssyncset.done $0x0  }
0xa6: {  	s25 =	simm.s32 $0x1B8E;
	[sflag:s24] =	ssyncadd.s32 $0xFFFFFFFF  }
0xa7: {  	s26 =	simm.s32 $execute0_lowered;
	[smem:$0x3FD2] =	sst s25  }
0xa8: {  	s6 =	sshll.u32 s26, $0x1;
	_ =	strace $0x80000046;
	[dreg:$0x1] =	wrdreg $0xFFFFFFFF  }
0xa9: {  	s28 =	simm.s32 $_size_execute0_lowered;
	s5 =	sadd.s32 s5, s6;
	[dreg:$0x0] =	wrdreg $0x0  }
0xaa: {  	s6 =	sshll.u32 s28, $0x1;
	[dreg:$0x2] =	wrdreg s5  }
0xab: {  	[dreg:$0x3] =	wrdreg s6  }
0xac: {  	[dreg:$0x4] =	wrdreg $0xC0  }
0xad: {  	_ =	task [dreg:s9], $0x5FFFF  }
0xae: {  	[dreg:$0x1] =	wrdreg $0xFFFFFFFF  }
0xaf: {  	[dreg:$0x0] =	wrdreg $0x60  }
0xb0: {  	[dreg:$0x2] =	wrdreg s2  }
0xb1: {  	[dreg:$0x3] =	wrdreg s19  }
0xb2: {  	[dreg:$0x4] =	wrdreg s4  }
0xb3: {  	[dreg:$0x5] =	wrdreg $0x9  }
0xb4: {  	_ =	task.clear_ibuf [dreg:s9], $0x6FFFF;
	_ =	strace $0x90000046  }
0xb5: {  	s29 =	simm.s32 $0x9;
	_ =	strace $0x80000048  }
0xb6: {  	_ =	swait.ge [sflag:s29], $0x1  }
0xb7: {  	[sflag:s29] =	ssyncadd.s32 $0xFFFFFFFF  }
0xb8: {  	_ =	strace $0x90000048  }
0xb9: {  	_ =	sfence  }
0xba: {  	s30 =	sld [smem:$0x0];
	_ =	sdelay $0x2  }
0xbb: {  	s31 =	sshll.u32 s1, $0xD;
	s1 =	sshrl.u32 s1, $0x2  }
0xbc: {  	s3 =	sand.u32 $0x4000, s31;
	s1 =	sadd.s32 s1, s30  }
0xbd: {  	s0 =	sor.u32 s3, s0;
	s1 =	sshll.u32 s1, $0x11  }
0xbe: {  	s0 =	sor.u32 s1, s0  }
0xbf: {  	s0 =	sadd.s32 $0x8F2B, s0  }
0xc0: {  	[sflag:s0] =	ssyncadd.remote.s32 $0x1  }
0xc1: {  	_ =	sfence.sel $0xFFFF  }
0xc2: {  	[dreg:$0x0] =	wrdreg $0xFFFFFFFF;
	(pc) =	sbr.abs _section_cstart, $3  }
0xc3: {  	[dreg:$0x1] =	wrdreg $0xFFFFFFFF  }
0xc4: {  	_ =	task.clear_ibuf [dreg:s9], $0x2FFFF;
	_ =	strace $0x9FFFFFFF  }
0xc5: {  	(tm) =	ssettm $0x7FFFFFFF  }
tec
execute0_lowered:
.L_overlay_start_1:
0x0: {  	(tag) =	ssettag $0x1  }
0x1: {  	s1 =	srdreg.scid  }
0x2: {  	s4 =	stileid.u32;
	s1 =	sand.u32 $0x1, s1  }
0x3: {  	s2 =	rddreg [dreg:$0x0];
	s5 =	sshll.u32 s4, $0x7;
	s6 =	sshll.u32 s1, $0x6  }
0x4: {  	s0 =	rddreg [dreg:$0x1];
	s5 =	sor.u32 s6, s5  }
0x5: {  	s3 =	rddreg [dreg:$0x2];
	s4 =	simm.s32 $0x0;
	s7 =	sshll.u32 s5, $0x7  }
0x6: {  	[smem:$0x7FF] =	sst s4;
	s8 =	sadd.s32 s0, s7  }
0x7: {  	_ =	strace $0x80000047;
	s10 =	sadd.s32 s2, s7;
	[dreg:$0x4] =	wrdreg s8  }
0x8: {  	s29 =	sor.u32 $0x800, s7;
	s15 =	sadd.s32 s3, s7;
	[dreg:$0x5] =	wrdreg s10  }
0x9: {  	s12 =	sadd.s32 s2, s29;
	[dreg:$0xa] =	wrdreg s15  }
0xa: {  	s14 =	sor.u32 $0x1000, s7;
	s13 =	sadd.s32 s0, s29;
	[dreg:$0x6] =	wrdreg s12  }
0xb: {  	s9 =	sor.u32 $0x1800, s7;
	s11 =	sadd.s32 s0, s14;
	[dreg:$0x7] =	wrdreg s13  }
0xc: {  	s0 =	sadd.s32 s0, s9;
	[dreg:$0x8] =	wrdreg s11  }
0xd: {  	s31 =	simm.s32 $0x1;
	s16 =	sadd.s32 s2, s14;
	[dreg:$0x9] =	wrdreg s0  }
0xe: {  	s28 =	simm.s32 $0x2;
	s17 =	sadd.s32 s3, s29;
	[dreg:$0xb] =	wrdreg s16  }
0xf: {  	s30 =	simm.s32 $0x4;
	s18 =	sadd.s32 s2, s9;
	[dreg:$0xc] =	wrdreg s17  }
0x10: {  	s1 =	ssub.s32 $0x2, s1;
	s19 =	sadd.s32 s3, s14;
	[dreg:$0xd] =	wrdreg s18  }
0x11: {  	s26 =	sshrl.u32 s1, $0x1;
	s20 =	sadd.s32 $0x40000, s10;
	[dreg:$0xe] =	wrdreg s19  }
0x12: {  	s6 =	simm.s32 $0x3;
	s21 =	sadd.s32 s3, s9;
	[dreg:$0xf] =	wrdreg s20  }
0x13: {  	s1 =	ssub.s32 s1, s26;
	s22 =	sadd.s32 $0x40800, s10;
	[dreg:$0x10] =	wrdreg s21  }
0x14: {  	s24 =	sor.u32 $0xC1800, s7;
	s23 =	sadd.s32 $0xC0800, s15;
	[dreg:$0x11] =	wrdreg s22  }
0x15: {  	s7 =	simm.s32 $0x0;
	s25 =	sadd.s32 s2, s24;
	[dreg:$0x12] =	wrdreg s23  }
0x16: {  	s26 =	sadd.s32 $0xC1000, s15;
	s29 =	smax.u32 s1, $0x1;
	[dreg:$0x13] =	wrdreg s25  }
0x17: {  	s1 =	simm.s32 $0x18000;
	s9 =	simm.s32 $0x5;
	[dreg:$0x14] =	wrdreg s26  }
0x18: {  	s0 =	sadd.s32 s3, s24;
	[dreg:$0x16] =	wrdreg s29;
	s25 =	simm.s32 $0x10000  }
0x19: {  	s24 =	simm.s32 $0x14000;
	s11 =	simm.s32 $0x6;
	[dreg:$0x15] =	wrdreg s0  }
.LBB2_1:
0x1a: {  	[dreg:$0x17] =	wrdreg s7  }
0x1b: {  	s0 =	rddreg [dreg:$0x4]  }
0x1c: {  	[tilespmem:s4], [sflag:$0x7] =	stream.linear.gather [hbm4b:s0+s4], $0x4000, $0x38;
	[tilespmem:$0x1C000] =	vst v63  }
0x1d: {  	s13 =	rddreg [dreg:$0x5]  }
0x1e: {  	[tilespmem:s25], [sflag:$0x1] =	stream.linear.gather [hbm4b:s13+s4], $0x4000, $0x38;
	[tilespmem:$0x1C000] =	vst v63  }
0x1f: {  	s14 =	rddreg [dreg:$0x6]  }
0x20: {  	[tilespmem:s24], [sflag:$0x2] =	stream.linear.gather [hbm4b:s14+s4], $0x4000, $0x38;
	[tilespmem:$0x1C000] =	vst v63  }
0x21: {  	s15 =	rddreg [dreg:$0x7];
	s16 =	simm.s32 $0x4000  }
0x22: {  	[tilespmem:s16], [sflag:$0x8] =	stream.linear.gather [hbm4b:s15+s4], $0x4000, $0x38;
	[tilespmem:$0x1C000] =	vst v63  }
0x23: {  	s17 =	rddreg [dreg:$0x8];
	s18 =	simm.s32 $0x8000  }
0x24: {  	[tilespmem:s18], [sflag:$0x9] =	stream.linear.gather [hbm4b:s17+s4], $0x4000, $0x38;
	[tilespmem:$0x1C000] =	vst v63  }
0x25: {  	s19 =	rddreg [dreg:$0x9];
	s20 =	simm.s32 $0xC000  }
0x26: {  	[tilespmem:s20], [sflag:$0xA] =	stream.linear.gather [hbm4b:s19+s4], $0x4000, $0x38;
	[tilespmem:$0x1C000] =	vst v63  }
0x27: {  	_ =	swait.ge [sflag:s31], $0x4000  }
0x28: {  	[sflag:s31] =	ssyncset.done $0x0  }
0x29: {  	s8 =	simm.s32 $0x7;
	s14 =	simm.s32 $0x0;
	[sflag:s31] =	ssyncadd.s32 $0xFFFFC000  }
0x2a: {  	s22 =	sand.u32 $0x1C00, s4;
	s21 =	sand.u32 $0x2000, s14;
	_ =	swait.ge [sflag:s8], $0x4000  }
0x2b: {  	s23 =	sand.u32 $0x380, s4;
	s0 =	sor.u32 s21, s22;
	[sflag:s8] =	ssyncset.done $0x0  }
0x2c: {  	s26 =	sor.u32 s23, s0;
	[sflag:s8] =	ssyncadd.s32 $0xFFFFC000  }
0x2d: {  	v0 =	vld [tilespmem:s26+$0x70]  }
0x2e: {  	v4 =	vld [tilespmem:s26+$0x0]  }
0x2f: {  	v5 =	vld [tilespmem:s26+$0x10]  }
0x30: {  	v6 =	vld [tilespmem:s26+$0x20]  }
0x31: {  	v2 =	vld [tilespmem:s26+$0x30]  }
0x32: {  	v3 =	vld [tilespmem:s26+$0x40]  }
0x33: {  	s0 =	sor.u32 $0x10070, s26;
	v1 =	vld [tilespmem:s26+$0x60]  }
0x34: {  	[tilespmem:s0+$0x0] =	vst.add.f32.msk $0xffff, v0  }
0x35: {  	s29 =	sor.u32 $0x10000, s26;
	v0 =	vld [tilespmem:s26+$0x50]  }
0x36: {  	s15 =	simm.s32 $0x0;
	s10 =	sor.u32 $0x10010, s26;
	[tilespmem:s29+$0x0] =	vst.add.f32.msk $0xffff, v4  }
0x37: {  	s16 =	simm.s32 $0x0;
	s12 =	sor.u32 $0x10020, s26;
	s7 =	sor.u32 $0x10040, s26;
	[tilespmem:s10+$0x0] =	vst.add.f32.msk $0xffff, v5  }
0x38: {  	s17 =	sor.u32 $0x10050, s26;
	s18 =	sor.u32 $0x10060, s26;
	s0 =	sor.u32 $0x10030, s26;
	[tilespmem:s12+$0x0] =	vst.add.f32.msk $0xffff, v6  }
.LBB2_2:
0x39: {  	s14 =	sadd.s32 $0x80, s14;
	[tilespmem:s0+$0x0] =	vst.add.f32.msk $0xffff, v2;
	s15 =	sadd.s32 $0x400, s15  }
0x3a: {  	s16 =	sadd.s32 $0x10, s16;
	s0 =	sand.u32 $0x2000, s14;
	s8 =	sand.u32 $0x1C00, s15;
	[tilespmem:s7+$0x0] =	vst.add.f32.msk $0xffff, v3  }
0x3b: {  	s7 =	sand.u32 $0x380, s16;
	p0 =	slt.u32 s14, $0x3F80;
	s0 =	sor.u32 s0, s8;
	[tilespmem:s17+$0x0] =	vst.add.f32.msk $0xffff, v0  }
0x3c: {  	s8 =	sor.u32 s7, s0;
	[tilespmem:s18+$0x0] =	vst.add.f32.msk $0xffff, v1  }
0x3d: {  	s10 =	sor.u32 $0x10000, s8;
	s12 =	sor.u32 $0x10010, s8;
	s13 =	sor.u32 $0x10020, s8;
	v0 =	vld [tilespmem:s8+$0x70]  }
0x3e: {  	s0 =	sor.u32 $0x10030, s8;
	s7 =	sor.u32 $0x10040, s8;
	s17 =	sor.u32 $0x10050, s8;
	v4 =	vld [tilespmem:s8+$0x0]  }
0x3f: {  	s18 =	sor.u32 $0x10060, s8;
	v5 =	vld [tilespmem:s8+$0x10]  }
0x40: {  	v6 =	vld [tilespmem:s8+$0x20]  }
0x41: {  	s19 =	sor.u32 $0x10070, s8;
	v2 =	vld [tilespmem:s8+$0x30]  }
0x42: {  	[tilespmem:s19+$0x0] =	vst.add.f32.msk $0xffff, v0  }
0x43: {  	v3 =	vld [tilespmem:s8+$0x40]  }
.Ltmp0:
0x44: {  	v0 =	vld [tilespmem:s8+$0x50];
	(pc) =	sbr.rel @p0 .LBB2_2-.Ltmp0, $4  }
0x45: {  	v1 =	vld [tilespmem:s8+$0x60]  }
0x46: {  	[tilespmem:s10+$0x0] =	vst.add.f32.msk $0xffff, v4  }
0x47: {  	[tilespmem:s12+$0x0] =	vst.add.f32.msk $0xffff, v5  }
0x48: {  	[tilespmem:s13+$0x0] =	vst.add.f32.msk $0xffff, v6  }
0x49: {  	[tilespmem:s0+$0x0] =	vst.add.f32.msk $0xffff, v2  }
0x4a: {  	[tilespmem:s7+$0x0] =	vst.add.f32.msk $0xffff, v3  }
0x4b: {  	[tilespmem:s17+$0x0] =	vst.add.f32.msk $0xffff, v0  }
0x4c: {  	[tilespmem:s18+$0x0] =	vst.add.f32.msk $0xffff, v1  }
0x4d: {  	s14 =	simm.s32 $0x0;
	s0 =	rddreg [dreg:$0xa]  }
0x4e: {  	[hbm4b:s0+s14] =	stream.linear.scatter [tilespmem:s25], [sflag:$0x4], $0x4000, $0x38;
	[tilespmem:$0x1C000] =	vst v63  }
0x4f: {  	s20 =	rddreg [dreg:$0xb]  }
0x50: {  	[tilespmem:s1], [sflag:$0x3] =	stream.linear.gather [hbm4b:s20+s14], $0x4000, $0x38;
	[tilespmem:$0x1C000] =	vst v63  }
0x51: {  	_ =	swait.ge [sflag:s28], $0x4000  }
0x52: {  	[sflag:s28] =	ssyncset.done $0x0  }
0x53: {  	s15 =	simm.s32 $0x0;
	s10 =	simm.s32 $0x8;
	[sflag:s28] =	ssyncadd.s32 $0xFFFFC000  }
0x54: {  	s21 =	sand.u32 $0x2000, s15;
	s22 =	sand.u32 $0x380, s14;
	_ =	swait.ge [sflag:s10], $0x4000  }
0x55: {  	s8 =	sand.u32 $0x1C00, s14;
	s0 =	sor.u32 s22, s21;
	[sflag:s10] =	ssyncset.done $0x0  }
0x56: {  	s8 =	sor.u32 s8, s0;
	[sflag:s10] =	ssyncadd.s32 $0xFFFFC000  }
0x57: {  	v0 =	vld [tilespmem:s8+$0x4070]  }
0x58: {  	v4 =	vld [tilespmem:s8+$0x4000]  }
0x59: {  	v5 =	vld [tilespmem:s8+$0x4010]  }
0x5a: {  	v6 =	vld [tilespmem:s8+$0x4020]  }
0x5b: {  	v2 =	vld [tilespmem:s8+$0x4030]  }
0x5c: {  	v3 =	vld [tilespmem:s8+$0x4040]  }
0x5d: {  	s0 =	sor.u32 $0x14070, s8;
	v1 =	vld [tilespmem:s8+$0x4060]  }
0x5e: {  	[tilespmem:s0+$0x0] =	vst.add.f32.msk $0xffff, v0  }
0x5f: {  	s23 =	sor.u32 $0x14000, s8;
	v0 =	vld [tilespmem:s8+$0x4050]  }
0x60: {  	s26 =	sor.u32 $0x14010, s8;
	[tilespmem:s23+$0x0] =	vst.add.f32.msk $0xffff, v4  }
0x61: {  	s16 =	simm.s32 $0x0;
	s29 =	sor.u32 $0x14020, s8;
	s12 =	sor.u32 $0x14040, s8;
	[tilespmem:s26+$0x0] =	vst.add.f32.msk $0xffff, v5  }
0x62: {  	s7 =	sor.u32 $0x14050, s8;
	s17 =	sor.u32 $0x14060, s8;
	s0 =	sor.u32 $0x14030, s8;
	[tilespmem:s29+$0x0] =	vst.add.f32.msk $0xffff, v6  }
.LBB2_4:
0x63: {  	s15 =	sadd.s32 $0x80, s15;
	[tilespmem:s0+$0x0] =	vst.add.f32.msk $0xffff, v2;
	s14 =	sadd.s32 $0x10, s14  }
0x64: {  	s16 =	sadd.s32 $0x400, s16;
	s0 =	sand.u32 $0x2000, s15;
	s8 =	sand.u32 $0x380, s14;
	[tilespmem:s12+$0x0] =	vst.add.f32.msk $0xffff, v3  }
0x65: {  	s10 =	sand.u32 $0x1C00, s16;
	p0 =	slt.u32 s15, $0x3F80;
	s0 =	sor.u32 s8, s0;
	[tilespmem:s7+$0x0] =	vst.add.f32.msk $0xffff, v0  }
0x66: {  	s8 =	sor.u32 s10, s0;
	[tilespmem:s17+$0x0] =	vst.add.f32.msk $0xffff, v1  }
0x67: {  	s10 =	sor.u32 $0x14000, s8;
	s13 =	sor.u32 $0x14010, s8;
	s18 =	sor.u32 $0x14020, s8;
	v0 =	vld [tilespmem:s8+$0x4070]  }
0x68: {  	s0 =	sor.u32 $0x14030, s8;
	s12 =	sor.u32 $0x14040, s8;
	s7 =	sor.u32 $0x14050, s8;
	v4 =	vld [tilespmem:s8+$0x4000]  }
0x69: {  	s17 =	sor.u32 $0x14060, s8;
	v5 =	vld [tilespmem:s8+$0x4010]  }
0x6a: {  	v6 =	vld [tilespmem:s8+$0x4020]  }
0x6b: {  	s19 =	sor.u32 $0x14070, s8;
	v2 =	vld [tilespmem:s8+$0x4030]  }
0x6c: {  	[tilespmem:s19+$0x0] =	vst.add.f32.msk $0xffff, v0  }
0x6d: {  	v3 =	vld [tilespmem:s8+$0x4040]  }
.Ltmp1:
0x6e: {  	v0 =	vld [tilespmem:s8+$0x4050];
	(pc) =	sbr.rel @p0 .LBB2_4-.Ltmp1, $4  }
0x6f: {  	v1 =	vld [tilespmem:s8+$0x4060]  }
0x70: {  	[tilespmem:s10+$0x0] =	vst.add.f32.msk $0xffff, v4  }
0x71: {  	[tilespmem:s13+$0x0] =	vst.add.f32.msk $0xffff, v5  }
0x72: {  	[tilespmem:s18+$0x0] =	vst.add.f32.msk $0xffff, v6  }
0x73: {  	[tilespmem:s0+$0x0] =	vst.add.f32.msk $0xffff, v2  }
0x74: {  	[tilespmem:s12+$0x0] =	vst.add.f32.msk $0xffff, v3  }
0x75: {  	[tilespmem:s7+$0x0] =	vst.add.f32.msk $0xffff, v0  }
0x76: {  	[tilespmem:s17+$0x0] =	vst.add.f32.msk $0xffff, v1  }
0x77: {  	s14 =	simm.s32 $0x0;
	s0 =	rddreg [dreg:$0xc]  }
0x78: {  	[hbm4b:s0+s14] =	stream.linear.scatter [tilespmem:s24], [sflag:$0x5], $0x4000, $0x38;
	[tilespmem:$0x1C000] =	vst v63  }
0x79: {  	_ =	swait.ge [sflag:s30], $0x4000  }
0x7a: {  	[sflag:s30] =	ssyncset.done $0x0  }
0x7b: {  	s20 =	rddreg [dreg:$0xd];
	[sflag:s30] =	ssyncadd.s32 $0xFFFFC000  }
0x7c: {  	[tilespmem:s25], [sflag:$0x1] =	stream.linear.gather [hbm4b:s20+s14], $0x4000, $0x38;
	[tilespmem:$0x1C000] =	vst v63  }
0x7d: {  	_ =	swait.ge [sflag:s6], $0x4000  }
0x7e: {  	[sflag:s6] =	ssyncset.done $0x0  }
0x7f: {  	s15 =	simm.s32 $0x0;
	s10 =	simm.s32 $0x9;
	[sflag:s6] =	ssyncadd.s32 $0xFFFFC000  }
0x80: {  	s21 =	sand.u32 $0x2000, s15;
	s22 =	sand.u32 $0x380, s14;
	_ =	swait.ge [sflag:s10], $0x4000  }
0x81: {  	s8 =	sand.u32 $0x1C00, s14;
	s0 =	sor.u32 s22, s21;
	[sflag:s10] =	ssyncset.done $0x0  }
0x82: {  	s8 =	sor.u32 s8, s0;
	[sflag:s10] =	ssyncadd.s32 $0xFFFFC000  }
0x83: {  	v0 =	vld [tilespmem:s8+$0x8070]  }
0x84: {  	v4 =	vld [tilespmem:s8+$0x8000]  }
0x85: {  	v5 =	vld [tilespmem:s8+$0x8010]  }
0x86: {  	v6 =	vld [tilespmem:s8+$0x8020]  }
0x87: {  	v2 =	vld [tilespmem:s8+$0x8030]  }
0x88: {  	v3 =	vld [tilespmem:s8+$0x8040]  }
0x89: {  	s0 =	sor.u32 $0x18070, s8;
	v1 =	vld [tilespmem:s8+$0x8060]  }
0x8a: {  	[tilespmem:s0+$0x0] =	vst.add.f32.msk $0xffff, v0  }
0x8b: {  	s23 =	sor.u32 $0x18000, s8;
	v0 =	vld [tilespmem:s8+$0x8050]  }
0x8c: {  	s26 =	sor.u32 $0x18010, s8;
	[tilespmem:s23+$0x0] =	vst.add.f32.msk $0xffff, v4  }
0x8d: {  	s16 =	simm.s32 $0x0;
	s29 =	sor.u32 $0x18020, s8;
	s12 =	sor.u32 $0x18040, s8;
	[tilespmem:s26+$0x0] =	vst.add.f32.msk $0xffff, v5  }
0x8e: {  	s7 =	sor.u32 $0x18050, s8;
	s17 =	sor.u32 $0x18060, s8;
	s0 =	sor.u32 $0x18030, s8;
	[tilespmem:s29+$0x0] =	vst.add.f32.msk $0xffff, v6  }
.LBB2_6:
0x8f: {  	s15 =	sadd.s32 $0x80, s15;
	[tilespmem:s0+$0x0] =	vst.add.f32.msk $0xffff, v2;
	s14 =	sadd.s32 $0x10, s14  }
0x90: {  	s16 =	sadd.s32 $0x400, s16;
	s0 =	sand.u32 $0x2000, s15;
	s8 =	sand.u32 $0x380, s14;
	[tilespmem:s12+$0x0] =	vst.add.f32.msk $0xffff, v3  }
0x91: {  	s10 =	sand.u32 $0x1C00, s16;
	p0 =	slt.u32 s15, $0x3F80;
	s0 =	sor.u32 s8, s0;
	[tilespmem:s7+$0x0] =	vst.add.f32.msk $0xffff, v0  }
0x92: {  	s8 =	sor.u32 s10, s0;
	[tilespmem:s17+$0x0] =	vst.add.f32.msk $0xffff, v1  }
0x93: {  	s10 =	sor.u32 $0x18000, s8;
	s13 =	sor.u32 $0x18010, s8;
	s18 =	sor.u32 $0x18020, s8;
	v0 =	vld [tilespmem:s8+$0x8070]  }
0x94: {  	s0 =	sor.u32 $0x18030, s8;
	s12 =	sor.u32 $0x18040, s8;
	s7 =	sor.u32 $0x18050, s8;
	v4 =	vld [tilespmem:s8+$0x8000]  }
0x95: {  	s17 =	sor.u32 $0x18060, s8;
	v5 =	vld [tilespmem:s8+$0x8010]  }
0x96: {  	v6 =	vld [tilespmem:s8+$0x8020]  }
0x97: {  	s19 =	sor.u32 $0x18070, s8;
	v2 =	vld [tilespmem:s8+$0x8030]  }
0x98: {  	[tilespmem:s19+$0x0] =	vst.add.f32.msk $0xffff, v0  }
0x99: {  	v3 =	vld [tilespmem:s8+$0x8040]  }
.Ltmp2:
0x9a: {  	v0 =	vld [tilespmem:s8+$0x8050];
	(pc) =	sbr.rel @p0 .LBB2_6-.Ltmp2, $4  }
0x9b: {  	v1 =	vld [tilespmem:s8+$0x8060]  }
0x9c: {  	[tilespmem:s10+$0x0] =	vst.add.f32.msk $0xffff, v4  }
0x9d: {  	[tilespmem:s13+$0x0] =	vst.add.f32.msk $0xffff, v5  }
0x9e: {  	[tilespmem:s18+$0x0] =	vst.add.f32.msk $0xffff, v6  }
0x9f: {  	[tilespmem:s0+$0x0] =	vst.add.f32.msk $0xffff, v2  }
0xa0: {  	[tilespmem:s12+$0x0] =	vst.add.f32.msk $0xffff, v3  }
0xa1: {  	[tilespmem:s7+$0x0] =	vst.add.f32.msk $0xffff, v0  }
0xa2: {  	[tilespmem:s17+$0x0] =	vst.add.f32.msk $0xffff, v1  }
0xa3: {  	s14 =	simm.s32 $0x0;
	s0 =	rddreg [dreg:$0xe]  }
0xa4: {  	[hbm4b:s0+s14] =	stream.linear.scatter [tilespmem:s1], [sflag:$0x6], $0x4000, $0x38;
	[tilespmem:$0x1C000] =	vst v63  }
0xa5: {  	_ =	swait.ge [sflag:s9], $0x4000  }
0xa6: {  	[sflag:s9] =	ssyncset.done $0x0  }
0xa7: {  	s20 =	rddreg [dreg:$0xf];
	[sflag:s9] =	ssyncadd.s32 $0xFFFFC000  }
0xa8: {  	[tilespmem:s24], [sflag:$0x2] =	stream.linear.gather [hbm4b:s20+s14], $0x4000, $0x38;
	[tilespmem:$0x1C000] =	vst v63  }
0xa9: {  	_ =	swait.ge [sflag:s31], $0x4000  }
0xaa: {  	[sflag:s31] =	ssyncset.done $0x0  }
0xab: {  	s15 =	simm.s32 $0x0;
	s10 =	simm.s32 $0xA;
	[sflag:s31] =	ssyncadd.s32 $0xFFFFC000  }
0xac: {  	s21 =	sand.u32 $0x2000, s15;
	s22 =	sand.u32 $0x380, s14;
	_ =	swait.ge [sflag:s10], $0x4000  }
0xad: {  	s8 =	sand.u32 $0x1C00, s14;
	s0 =	sor.u32 s22, s21;
	[sflag:s10] =	ssyncset.done $0x0  }
0xae: {  	s8 =	sor.u32 s8, s0;
	[sflag:s10] =	ssyncadd.s32 $0xFFFFC000  }
0xaf: {  	v0 =	vld [tilespmem:s8+$0xC070]  }
0xb0: {  	v4 =	vld [tilespmem:s8+$0xC000]  }
0xb1: {  	v5 =	vld [tilespmem:s8+$0xC010]  }
0xb2: {  	v6 =	vld [tilespmem:s8+$0xC020]  }
0xb3: {  	v2 =	vld [tilespmem:s8+$0xC030]  }
0xb4: {  	v3 =	vld [tilespmem:s8+$0xC040]  }
0xb5: {  	s0 =	sor.u32 $0x10070, s8;
	v1 =	vld [tilespmem:s8+$0xC060]  }
0xb6: {  	[tilespmem:s0+$0x0] =	vst.add.f32.msk $0xffff, v0  }
0xb7: {  	s23 =	sor.u32 $0x10000, s8;
	v0 =	vld [tilespmem:s8+$0xC050]  }
0xb8: {  	s26 =	sor.u32 $0x10010, s8;
	[tilespmem:s23+$0x0] =	vst.add.f32.msk $0xffff, v4  }
0xb9: {  	s16 =	simm.s32 $0x0;
	s29 =	sor.u32 $0x10020, s8;
	s12 =	sor.u32 $0x10040, s8;
	[tilespmem:s26+$0x0] =	vst.add.f32.msk $0xffff, v5  }
0xba: {  	s7 =	sor.u32 $0x10050, s8;
	s17 =	sor.u32 $0x10060, s8;
	s0 =	sor.u32 $0x10030, s8;
	[tilespmem:s29+$0x0] =	vst.add.f32.msk $0xffff, v6  }
.LBB2_8:
0xbb: {  	s15 =	sadd.s32 $0x80, s15;
	[tilespmem:s0+$0x0] =	vst.add.f32.msk $0xffff, v2;
	s14 =	sadd.s32 $0x10, s14  }
0xbc: {  	s16 =	sadd.s32 $0x400, s16;
	s0 =	sand.u32 $0x2000, s15;
	s8 =	sand.u32 $0x380, s14;
	[tilespmem:s12+$0x0] =	vst.add.f32.msk $0xffff, v3  }
0xbd: {  	s10 =	sand.u32 $0x1C00, s16;
	p0 =	slt.u32 s15, $0x3F80;
	s0 =	sor.u32 s8, s0;
	[tilespmem:s7+$0x0] =	vst.add.f32.msk $0xffff, v0  }
0xbe: {  	s8 =	sor.u32 s10, s0;
	[tilespmem:s17+$0x0] =	vst.add.f32.msk $0xffff, v1  }
0xbf: {  	s10 =	sor.u32 $0x10000, s8;
	s13 =	sor.u32 $0x10010, s8;
	s18 =	sor.u32 $0x10020, s8;
	v0 =	vld [tilespmem:s8+$0xC070]  }
0xc0: {  	s0 =	sor.u32 $0x10030, s8;
	s12 =	sor.u32 $0x10040, s8;
	s7 =	sor.u32 $0x10050, s8;
	v4 =	vld [tilespmem:s8+$0xC000]  }
0xc1: {  	s17 =	sor.u32 $0x10060, s8;
	v5 =	vld [tilespmem:s8+$0xC010]  }
0xc2: {  	v6 =	vld [tilespmem:s8+$0xC020]  }
0xc3: {  	s19 =	sor.u32 $0x10070, s8;
	v2 =	vld [tilespmem:s8+$0xC030]  }
0xc4: {  	[tilespmem:s19+$0x0] =	vst.add.f32.msk $0xffff, v0  }
0xc5: {  	v3 =	vld [tilespmem:s8+$0xC040]  }
.Ltmp3:
0xc6: {  	v0 =	vld [tilespmem:s8+$0xC050];
	(pc) =	sbr.rel @p0 .LBB2_8-.Ltmp3, $4  }
0xc7: {  	v1 =	vld [tilespmem:s8+$0xC060]  }
0xc8: {  	[tilespmem:s10+$0x0] =	vst.add.f32.msk $0xffff, v4  }
0xc9: {  	[tilespmem:s13+$0x0] =	vst.add.f32.msk $0xffff, v5  }
0xca: {  	[tilespmem:s18+$0x0] =	vst.add.f32.msk $0xffff, v6  }
0xcb: {  	[tilespmem:s0+$0x0] =	vst.add.f32.msk $0xffff, v2  }
0xcc: {  	[tilespmem:s12+$0x0] =	vst.add.f32.msk $0xffff, v3  }
0xcd: {  	[tilespmem:s7+$0x0] =	vst.add.f32.msk $0xffff, v0  }
0xce: {  	[tilespmem:s17+$0x0] =	vst.add.f32.msk $0xffff, v1  }
0xcf: {  	s14 =	simm.s32 $0x0;
	s0 =	rddreg [dreg:$0x10]  }
0xd0: {  	[hbm4b:s0+s14] =	stream.linear.scatter [tilespmem:s25], [sflag:$0x4], $0x4000, $0x38;
	[tilespmem:$0x1C000] =	vst v63  }
0xd1: {  	_ =	swait.ge [sflag:s11], $0x4000  }
0xd2: {  	[sflag:s11] =	ssyncset.done $0x0  }
0xd3: {  	s15 =	simm.s32 $0x0;
	s29 =	rddreg [dreg:$0x11];
	[sflag:s11] =	ssyncadd.s32 $0xFFFFC000  }
0xd4: {  	[tilespmem:s1], [sflag:$0x3] =	stream.linear.gather [hbm4b:s29+s14], $0x4000, $0x38;
	[tilespmem:$0x1C000] =	vst v63  }
.LBB2_10:
0xd5: {  	s17 =	smul.u32 $0x30, s15;
	_ =	sdelay $0x1  }
0xd6: {  	s0 =	sadd.s32 $0x0, s17  }
0xd7: {  	s7 =	simm.s32 $0x0;
	s0 =	sshll.u32 s0, $0xA  }
0xd8: {  	_ =	swait.ge [sflag:s28], $0x4000;
	s7 =	sand.u32 $0x380, s7;
	s0 =	sand.u32 $0xE000, s0  }
0xd9: {  	s8 =	sand.u32 $0x1C00, s14;
	[sflag:s28] =	ssyncset.done $0x0;
	s0 =	sor.u32 s7, s0  }
0xda: {  	[sflag:s28] =	ssyncadd.s32 $0xFFFFC000;
	s10 =	sor.u32 s8, s0  }
0xdb: {  	v4 =	vld [tilespmem:s10+$0x70]  }
0xdc: {  	v1 =	vld [tilespmem:s10+$0x0]  }
0xdd: {  	s16 =	simm.s32 $0x0;
	v2 =	vld [tilespmem:s10+$0x10]  }
0xde: {  	s29 =	sand.u32 $0x2000, s16;
	v3 =	vld [tilespmem:s10+$0x20]  }
0xdf: {  	s0 =	sor.u32 s7, s29;
	v0 =	vld [tilespmem:s10+$0x30]  }
0xe0: {  	s13 =	sor.u32 s8, s0;
	v5 =	vld [tilespmem:s10+$0x50]  }
0xe1: {  	s18 =	simm.s32 $0x0;
	v6 =	vld [tilespmem:s10+$0x60];
	s0 =	sor.u32 $0x14070, s13;
	s8 =	sor.u32 $0x14000, s13  }
0xe2: {  	s12 =	sor.u32 $0x14020, s13;
	s7 =	sor.u32 $0x14030, s13;
	s21 =	sor.u32 $0x14040, s13;
	[tilespmem:s0+$0x0] =	vst.add.f32.msk $0xffff, v4  }
0xe3: {  	s20 =	sor.u32 $0x14050, s13;
	s19 =	sor.u32 $0x14060, s13;
	s0 =	sor.u32 $0x14010, s13;
	v4 =	vld [tilespmem:s10+$0x40]  }
.LBB2_11:
0xe4: {  	s16 =	sadd.s32 $0x80, s16;
	[tilespmem:s8+$0x0] =	vst.add.f32.msk $0xffff, v1  }
0xe5: {  	s8 =	sshrl.u32 s16, $0xA;
	p0 =	slt.u32 s16, $0x3F80;
	[tilespmem:s0+$0x0] =	vst.add.f32.msk $0xffff, v2  }
0xe6: {  	s0 =	sadd.s32 s17, s8;
	[tilespmem:s12+$0x0] =	vst.add.f32.msk $0xffff, v3  }
0xe7: {  	s8 =	sshrl.u32 s16, $0x3;
	s0 =	sshll.u32 s0, $0xA;
	[tilespmem:s7+$0x0] =	vst.add.f32.msk $0xffff, v0  }
0xe8: {  	s18 =	sadd.s32 $0x400, s18;
	s7 =	sand.u32 $0x380, s8;
	s0 =	sand.u32 $0xE000, s0;
	[tilespmem:s21+$0x0] =	vst.add.f32.msk $0xffff, v4  }
0xe9: {  	s8 =	sand.u32 $0x1C00, s18;
	s0 =	sor.u32 s7, s0;
	[tilespmem:s20+$0x0] =	vst.add.f32.msk $0xffff, v5  }
0xea: {  	s10 =	sor.u32 s8, s0;
	[tilespmem:s19+$0x0] =	vst.add.f32.msk $0xffff, v6  }
0xeb: {  	s0 =	sand.u32 $0x2000, s16;
	v4 =	vld [tilespmem:s10+$0x70]  }
0xec: {  	s0 =	sor.u32 s7, s0;
	v1 =	vld [tilespmem:s10+$0x0]  }
0xed: {  	s13 =	sor.u32 s8, s0;
	v2 =	vld [tilespmem:s10+$0x10]  }
0xee: {  	s8 =	sor.u32 $0x14000, s13;
	v3 =	vld [tilespmem:s10+$0x20]  }
.Ltmp4:
0xef: {  	s0 =	sor.u32 $0x14010, s13;
	s19 =	sor.u32 $0x14070, s13;
	v0 =	vld [tilespmem:s10+$0x30];
	(pc) =	sbr.rel @p0 .LBB2_11-.Ltmp4, $4  }
0xf0: {  	s12 =	sor.u32 $0x14020, s13;
	s7 =	sor.u32 $0x14030, s13;
	s21 =	sor.u32 $0x14040, s13;
	[tilespmem:s19+$0x0] =	vst.add.f32.msk $0xffff, v4  }
0xf1: {  	s20 =	sor.u32 $0x14050, s13;
	s19 =	sor.u32 $0x14060, s13;
	v4 =	vld [tilespmem:s10+$0x40]  }
0xf2: {  	v5 =	vld [tilespmem:s10+$0x50]  }
0xf3: {  	v6 =	vld [tilespmem:s10+$0x60]  }
0xf4: {  	[tilespmem:s8+$0x0] =	vst.add.f32.msk $0xffff, v1;
	s16 =	smul.u32 $0x180000, s15  }
0xf5: {  	[tilespmem:s0+$0x0] =	vst.add.f32.msk $0xffff, v2;
	s18 =	sand.u32 $0x30, s17  }
0xf6: {  	[tilespmem:s12+$0x0] =	vst.add.f32.msk $0xffff, v3;
	s0 =	sor.u32 s5, s18;
	s22 =	sadd.s32 $0x200000, s16  }
0xf7: {  	[tilespmem:s7+$0x0] =	vst.add.f32.msk $0xffff, v0;
	s17 =	sshll.u32 s0, $0xA;
	s23 =	sand.u32 $0xE00000, s22  }
0xf8: {  	[tilespmem:s21+$0x0] =	vst.add.f32.msk $0xffff, v4;
	s0 =	sor.u32 s23, s17  }
0xf9: {  	[tilespmem:s20+$0x0] =	vst.add.f32.msk $0xffff, v5;
	s0 =	sshrl.u32 s0, $0x3  }
0xfa: {  	s21 =	simm.s32 $0x0;
	s20 =	smul.u32 $0x3, s15;
	[tilespmem:s19+$0x0] =	vst.add.f32.msk $0xffff, v6;
	s0 =	sadd.s32 s3, s0  }
0xfb: {  	[hbm4b:s0+s21] =	stream.linear.scatter [tilespmem:s24], [sflag:$0x5], $0x4000, $0x38;
	[tilespmem:$0x1C000] =	vst v63  }
0xfc: {  	s24 =	sadd.s32 $0x6, s20  }
0xfd: {  	s26 =	sshll.u32 s24, $0x4  }
0xfe: {  	s19 =	sand.u32 $0x30, s26  }
0xff: {  	s22 =	sadd.s32 $0x5, s20;
	s0 =	sshll.u32 s24, $0x10;
	s7 =	sor.u32 s5, s19  }
0x100: {  	_ =	swait.ge [sflag:s30], $0x4000;
	s0 =	sand.u32 $0x1C0000, s0;
	s7 =	sshll.u32 s7, $0x7  }
0x101: {  	s8 =	sshll.u32 s22, $0x4;
	[sflag:s30] =	ssyncset.done $0x0;
	s18 =	sor.u32 s0, s7  }
0x102: {  	s23 =	sand.u32 $0x30, s8;
	[sflag:s30] =	ssyncadd.s32 $0xFFFFC000;
	s0 =	sadd.s32 s2, s18  }
0x103: {  	[tilespmem:s25], [sflag:$0x1] =	stream.linear.gather [hbm4b:s0+s21], $0x4000, $0x38;
	[tilespmem:$0x1C000] =	vst v63  }
0x104: {  	s0 =	sadd.s32 $0x0, s23  }
0x105: {  	s10 =	simm.s32 $0x0;
	s0 =	sshll.u32 s0, $0xA  }
0x106: {  	s7 =	sand.u32 $0x380, s10;
	_ =	swait.ge [sflag:s6], $0x4000;
	s0 =	sand.u32 $0xE000, s0  }
0x107: {  	s12 =	sand.u32 $0x1C00, s21;
	[sflag:s6] =	ssyncset.done $0x0;
	s0 =	sor.u32 s7, s0  }
0x108: {  	[sflag:s6] =	ssyncadd.s32 $0xFFFFC000;
	s26 =	sor.u32 s12, s0  }
0x109: {  	v4 =	vld [tilespmem:s26+$0x70]  }
0x10a: {  	v0 =	vld [tilespmem:s26+$0x0]  }
0x10b: {  	s24 =	simm.s32 $0x0;
	v1 =	vld [tilespmem:s26+$0x10]  }
0x10c: {  	s13 =	sand.u32 $0x2000, s24;
	v2 =	vld [tilespmem:s26+$0x20]  }
0x10d: {  	s0 =	sor.u32 s7, s13;
	v3 =	vld [tilespmem:s26+$0x30]  }
0x10e: {  	s7 =	sor.u32 s12, s0;
	v5 =	vld [tilespmem:s26+$0x50]  }
0x10f: {  	v6 =	vld [tilespmem:s26+$0x60];
	s0 =	sor.u32 $0x18070, s7;
	s13 =	sor.u32 $0x18000, s7  }
0x110: {  	s8 =	sor.u32 $0x18010, s7;
	s10 =	sor.u32 $0x18020, s7;
	s29 =	sor.u32 $0x18030, s7;
	[tilespmem:s0+$0x0] =	vst.add.f32.msk $0xffff, v4  }
0x111: {  	s12 =	sor.u32 $0x18050, s7;
	v4 =	vld [tilespmem:s26+$0x40];
	s0 =	sor.u32 $0x18040, s7;
	s7 =	sor.u32 $0x18060, s7  }
.LBB2_13:
0x112: {  	s24 =	sadd.s32 $0x80, s24;
	[tilespmem:s13+$0x0] =	vst.add.f32.msk $0xffff, v0  }
0x113: {  	s13 =	sshrl.u32 s24, $0xA;
	p0 =	slt.u32 s24, $0x3F80;
	[tilespmem:s8+$0x0] =	vst.add.f32.msk $0xffff, v1  }
0x114: {  	s8 =	sadd.s32 s23, s13;
	[tilespmem:s10+$0x0] =	vst.add.f32.msk $0xffff, v2  }
0x115: {  	s10 =	sshrl.u32 s24, $0x3;
	s8 =	sshll.u32 s8, $0xA;
	[tilespmem:s29+$0x0] =	vst.add.f32.msk $0xffff, v3  }
0x116: {  	s21 =	sadd.s32 $0x400, s21;
	s10 =	sand.u32 $0x380, s10;
	s8 =	sand.u32 $0xE000, s8;
	[tilespmem:s0+$0x0] =	vst.add.f32.msk $0xffff, v4  }
0x117: {  	s0 =	sand.u32 $0x1C00, s21;
	s8 =	sor.u32 s10, s8;
	[tilespmem:s12+$0x0] =	vst.add.f32.msk $0xffff, v5  }
0x118: {  	s26 =	sor.u32 s0, s8;
	[tilespmem:s7+$0x0] =	vst.add.f32.msk $0xffff, v6  }
0x119: {  	s7 =	sand.u32 $0x2000, s24;
	v4 =	vld [tilespmem:s26+$0x70]  }
0x11a: {  	s7 =	sor.u32 s10, s7;
	v0 =	vld [tilespmem:s26+$0x0]  }
0x11b: {  	s7 =	sor.u32 s0, s7;
	v1 =	vld [tilespmem:s26+$0x10]  }
0x11c: {  	s13 =	sor.u32 $0x18000, s7;
	v2 =	vld [tilespmem:s26+$0x20]  }
.Ltmp5:
0x11d: {  	s8 =	sor.u32 $0x18010, s7;
	s12 =	sor.u32 $0x18070, s7;
	v3 =	vld [tilespmem:s26+$0x30];
	(pc) =	sbr.rel @p0 .LBB2_13-.Ltmp5, $4  }
0x11e: {  	s10 =	sor.u32 $0x18020, s7;
	s29 =	sor.u32 $0x18030, s7;
	s0 =	sor.u32 $0x18040, s7;
	[tilespmem:s12+$0x0] =	vst.add.f32.msk $0xffff, v4  }
0x11f: {  	s12 =	sor.u32 $0x18050, s7;
	s7 =	sor.u32 $0x18060, s7;
	v4 =	vld [tilespmem:s26+$0x40]  }
0x120: {  	v5 =	vld [tilespmem:s26+$0x50]  }
0x121: {  	v6 =	vld [tilespmem:s26+$0x60]  }
0x122: {  	[tilespmem:s13+$0x0] =	vst.add.f32.msk $0xffff, v0  }
0x123: {  	[tilespmem:s8+$0x0] =	vst.add.f32.msk $0xffff, v1  }
0x124: {  	[tilespmem:s10+$0x0] =	vst.add.f32.msk $0xffff, v2  }
0x125: {  	[tilespmem:s29+$0x0] =	vst.add.f32.msk $0xffff, v3;
	s29 =	sshll.u32 s22, $0x10  }
0x126: {  	s10 =	sor.u32 s5, s23;
	s8 =	sand.u32 $0x1C0000, s29;
	[tilespmem:s0+$0x0] =	vst.add.f32.msk $0xffff, v4  }
0x127: {  	s0 =	sshll.u32 s10, $0x7;
	s8 =	sadd.s32 s3, s8;
	[tilespmem:s12+$0x0] =	vst.add.f32.msk $0xffff, v5;
	s12 =	sadd.s32 $0x7, s20  }
0x128: {  	s21 =	simm.s32 $0x0;
	s0 =	sadd.s32 s0, s8;
	[tilespmem:s7+$0x0] =	vst.add.f32.msk $0xffff, v6;
	s13 =	sshll.u32 s12, $0x4  }
0x129: {  	[hbm4b:s0+s21] =	stream.linear.scatter [tilespmem:s1], [sflag:$0x6], $0x4000, $0x38;
	[tilespmem:$0x1C000] =	vst v63  }
0x12a: {  	s24 =	simm.s32 $0x14000;
	s0 =	sshll.u32 s12, $0x10;
	s7 =	sand.u32 $0x30, s13  }
0x12b: {  	_ =	swait.ge [sflag:s9], $0x4000;
	s0 =	sand.u32 $0x1C0000, s0;
	s7 =	sor.u32 s5, s7  }
0x12c: {  	[sflag:s9] =	ssyncset.done $0x0;
	s7 =	sshll.u32 s7, $0x7;
	s0 =	sadd.s32 s2, s0  }
0x12d: {  	s20 =	sadd.s32 $0x0, s19;
	[sflag:s9] =	ssyncadd.s32 $0xFFFFC000;
	s0 =	sadd.s32 s7, s0  }
0x12e: {  	[tilespmem:s24], [sflag:$0x2] =	stream.linear.gather [hbm4b:s0+s21], $0x4000, $0x38;
	[tilespmem:$0x1C000] =	vst v63  }
0x12f: {  	s22 =	simm.s32 $0x0;
	s0 =	sshll.u32 s20, $0xA  }
0x130: {  	s7 =	sand.u32 $0x380, s22;
	_ =	swait.ge [sflag:s31], $0x4000;
	s0 =	sand.u32 $0xE000, s0  }
0x131: {  	s23 =	sand.u32 $0x1C00, s21;
	[sflag:s31] =	ssyncset.done $0x0;
	s0 =	sor.u32 s7, s0  }
0x132: {  	[sflag:s31] =	ssyncadd.s32 $0xFFFFC000;
	s26 =	sor.u32 s23, s0  }
0x133: {  	v4 =	vld [tilespmem:s26+$0x70]  }
0x134: {  	v0 =	vld [tilespmem:s26+$0x0]  }
0x135: {  	s20 =	simm.s32 $0x0;
	v1 =	vld [tilespmem:s26+$0x10]  }
0x136: {  	s29 =	sand.u32 $0x2000, s20;
	v2 =	vld [tilespmem:s26+$0x20]  }
0x137: {  	s0 =	sor.u32 s7, s29;
	v3 =	vld [tilespmem:s26+$0x30]  }
0x138: {  	s7 =	sor.u32 s23, s0;
	v5 =	vld [tilespmem:s26+$0x50]  }
0x139: {  	v6 =	vld [tilespmem:s26+$0x60];
	s0 =	sor.u32 $0x10070, s7;
	s13 =	sor.u32 $0x10000, s7  }
0x13a: {  	s8 =	sor.u32 $0x10010, s7;
	s10 =	sor.u32 $0x10020, s7;
	s22 =	sor.u32 $0x10030, s7;
	[tilespmem:s0+$0x0] =	vst.add.f32.msk $0xffff, v4  }
0x13b: {  	s12 =	sor.u32 $0x10040, s7;
	v4 =	vld [tilespmem:s26+$0x40];
	s0 =	sor.u32 $0x10050, s7;
	s7 =	sor.u32 $0x10060, s7  }
.LBB2_15:
0x13c: {  	s20 =	sadd.s32 $0x80, s20;
	[tilespmem:s13+$0x0] =	vst.add.f32.msk $0xffff, v0  }
0x13d: {  	s13 =	sshrl.u32 s20, $0xA;
	p0 =	slt.u32 s20, $0x3F80;
	[tilespmem:s8+$0x0] =	vst.add.f32.msk $0xffff, v1  }
0x13e: {  	s8 =	sadd.s32 s19, s13;
	[tilespmem:s10+$0x0] =	vst.add.f32.msk $0xffff, v2  }
0x13f: {  	s10 =	sshrl.u32 s20, $0x3;
	s8 =	sshll.u32 s8, $0xA;
	[tilespmem:s22+$0x0] =	vst.add.f32.msk $0xffff, v3  }
0x140: {  	s21 =	sadd.s32 $0x400, s21;
	s10 =	sand.u32 $0x380, s10;
	s8 =	sand.u32 $0xE000, s8;
	[tilespmem:s12+$0x0] =	vst.add.f32.msk $0xffff, v4  }
0x141: {  	s12 =	sand.u32 $0x1C00, s21;
	s8 =	sor.u32 s10, s8;
	[tilespmem:s0+$0x0] =	vst.add.f32.msk $0xffff, v5  }
0x142: {  	s23 =	sor.u32 s12, s8;
	[tilespmem:s7+$0x0] =	vst.add.f32.msk $0xffff, v6  }
0x143: {  	s0 =	sand.u32 $0x2000, s20;
	v4 =	vld [tilespmem:s23+$0x70]  }
0x144: {  	s0 =	sor.u32 s10, s0;
	v0 =	vld [tilespmem:s23+$0x0]  }
0x145: {  	s7 =	sor.u32 s12, s0;
	v1 =	vld [tilespmem:s23+$0x10]  }
0x146: {  	s13 =	sor.u32 $0x10000, s7;
	v2 =	vld [tilespmem:s23+$0x20]  }
.Ltmp6:
0x147: {  	s8 =	sor.u32 $0x10010, s7;
	s0 =	sor.u32 $0x10070, s7;
	v3 =	vld [tilespmem:s23+$0x30];
	(pc) =	sbr.rel @p0 .LBB2_15-.Ltmp6, $4  }
0x148: {  	s10 =	sor.u32 $0x10020, s7;
	s22 =	sor.u32 $0x10030, s7;
	s12 =	sor.u32 $0x10040, s7;
	[tilespmem:s0+$0x0] =	vst.add.f32.msk $0xffff, v4  }
0x149: {  	s0 =	sor.u32 $0x10050, s7;
	s7 =	sor.u32 $0x10060, s7;
	v4 =	vld [tilespmem:s23+$0x40]  }
0x14a: {  	v5 =	vld [tilespmem:s23+$0x50]  }
0x14b: {  	v6 =	vld [tilespmem:s23+$0x60]  }
0x14c: {  	[tilespmem:s13+$0x0] =	vst.add.f32.msk $0xffff, v0  }
0x14d: {  	[tilespmem:s8+$0x0] =	vst.add.f32.msk $0xffff, v1  }
0x14e: {  	[tilespmem:s10+$0x0] =	vst.add.f32.msk $0xffff, v2  }
0x14f: {  	[tilespmem:s22+$0x0] =	vst.add.f32.msk $0xffff, v3  }
0x150: {  	[tilespmem:s12+$0x0] =	vst.add.f32.msk $0xffff, v4  }
0x151: {  	s15 =	sadd.s32 $0x1, s15;
	[tilespmem:s0+$0x0] =	vst.add.f32.msk $0xffff, v5  }
0x152: {  	s26 =	sadd.s32 s3, s18;
	s29 =	sadd.s32 $0x400000, s16;
	p0 =	sne.s32 s15, $0x3;
	[tilespmem:s7+$0x0] =	vst.add.f32.msk $0xffff, v6  }
0x153: {  	[hbm4b:s26+s4] =	stream.linear.scatter [tilespmem:s25], [sflag:$0x4], $0x4000, $0x38;
	[tilespmem:$0x1C000] =	vst v63  }
.Ltmp7:
0x154: {  	s0 =	sand.u32 $0xE00000, s29;
	(pc) =	sbr.rel @p0 .LBB2_10-.Ltmp7, $4  }
0x155: {  	s0 =	sor.u32 s0, s17;
	_ =	swait.ge [sflag:s11], $0x4000  }
0x156: {  	s0 =	sshrl.u32 s0, $0x3;
	[sflag:s11] =	ssyncset.done $0x0  }
0x157: {  	s0 =	sadd.s32 s2, s0;
	[sflag:s11] =	ssyncadd.s32 $0xFFFFC000  }
0x158: {  	[tilespmem:s1], [sflag:$0x3] =	stream.linear.gather [hbm4b:s0+s4], $0x4000, $0x38;
	[tilespmem:$0x1C000] =	vst v63  }
0x159: {  	s14 =	simm.s32 $0x0;
	s15 =	simm.s32 $0x0  }
0x15a: {  	_ =	swait.ge [sflag:s28], $0x4000;
	s0 =	sand.u32 $0x2000, s15;
	s7 =	sand.u32 $0x380, s14  }
0x15b: {  	[sflag:s28] =	ssyncset.done $0x0;
	s8 =	sand.u32 $0x1C00, s14;
	s0 =	sor.u32 s7, s0  }
0x15c: {  	[sflag:s28] =	ssyncadd.s32 $0xFFFFC000;
	s8 =	sor.u32 s8, s0  }
0x15d: {  	v0 =	vld [tilespmem:s8+$0x4070]  }
0x15e: {  	v4 =	vld [tilespmem:s8+$0x4000]  }
0x15f: {  	v5 =	vld [tilespmem:s8+$0x4010]  }
0x160: {  	v6 =	vld [tilespmem:s8+$0x4020]  }
0x161: {  	v2 =	vld [tilespmem:s8+$0x4030]  }
0x162: {  	v3 =	vld [tilespmem:s8+$0x4040]  }
0x163: {  	s0 =	sor.u32 $0x14070, s8;
	v1 =	vld [tilespmem:s8+$0x4060]  }
0x164: {  	[tilespmem:s0+$0x0] =	vst.add.f32.msk $0xffff, v0  }
0x165: {  	s26 =	sor.u32 $0x14000, s8;
	v0 =	vld [tilespmem:s8+$0x4050]  }
0x166: {  	s29 =	sor.u32 $0x14010, s8;
	[tilespmem:s26+$0x0] =	vst.add.f32.msk $0xffff, v4  }
0x167: {  	s16 =	simm.s32 $0x0;
	s10 =	sor.u32 $0x14020, s8;
	s12 =	sor.u32 $0x14040, s8;
	[tilespmem:s29+$0x0] =	vst.add.f32.msk $0xffff, v5  }
0x168: {  	s7 =	sor.u32 $0x14050, s8;
	s17 =	sor.u32 $0x14060, s8;
	s0 =	sor.u32 $0x14030, s8;
	[tilespmem:s10+$0x0] =	vst.add.f32.msk $0xffff, v6  }
.LBB2_18:
0x169: {  	s15 =	sadd.s32 $0x80, s15;
	[tilespmem:s0+$0x0] =	vst.add.f32.msk $0xffff, v2;
	s14 =	sadd.s32 $0x10, s14  }
0x16a: {  	s16 =	sadd.s32 $0x400, s16;
	s0 =	sand.u32 $0x2000, s15;
	s8 =	sand.u32 $0x380, s14;
	[tilespmem:s12+$0x0] =	vst.add.f32.msk $0xffff, v3  }
0x16b: {  	s10 =	sand.u32 $0x1C00, s16;
	p0 =	slt.u32 s15, $0x3F80;
	s0 =	sor.u32 s8, s0;
	[tilespmem:s7+$0x0] =	vst.add.f32.msk $0xffff, v0  }
0x16c: {  	s8 =	sor.u32 s10, s0;
	[tilespmem:s17+$0x0] =	vst.add.f32.msk $0xffff, v1  }
0x16d: {  	s10 =	sor.u32 $0x14000, s8;
	s13 =	sor.u32 $0x14010, s8;
	s18 =	sor.u32 $0x14020, s8;
	v0 =	vld [tilespmem:s8+$0x4070]  }
0x16e: {  	s0 =	sor.u32 $0x14030, s8;
	s12 =	sor.u32 $0x14040, s8;
	s7 =	sor.u32 $0x14050, s8;
	v4 =	vld [tilespmem:s8+$0x4000]  }
0x16f: {  	s17 =	sor.u32 $0x14060, s8;
	v5 =	vld [tilespmem:s8+$0x4010]  }
0x170: {  	v6 =	vld [tilespmem:s8+$0x4020]  }
0x171: {  	s19 =	sor.u32 $0x14070, s8;
	v2 =	vld [tilespmem:s8+$0x4030]  }
0x172: {  	[tilespmem:s19+$0x0] =	vst.add.f32.msk $0xffff, v0  }
0x173: {  	v3 =	vld [tilespmem:s8+$0x4040]  }
.Ltmp8:
0x174: {  	v0 =	vld [tilespmem:s8+$0x4050];
	(pc) =	sbr.rel @p0 .LBB2_18-.Ltmp8, $4  }
0x175: {  	v1 =	vld [tilespmem:s8+$0x4060]  }
0x176: {  	[tilespmem:s10+$0x0] =	vst.add.f32.msk $0xffff, v4  }
0x177: {  	[tilespmem:s13+$0x0] =	vst.add.f32.msk $0xffff, v5  }
0x178: {  	[tilespmem:s18+$0x0] =	vst.add.f32.msk $0xffff, v6  }
0x179: {  	[tilespmem:s0+$0x0] =	vst.add.f32.msk $0xffff, v2  }
0x17a: {  	[tilespmem:s12+$0x0] =	vst.add.f32.msk $0xffff, v3  }
0x17b: {  	[tilespmem:s7+$0x0] =	vst.add.f32.msk $0xffff, v0  }
0x17c: {  	[tilespmem:s17+$0x0] =	vst.add.f32.msk $0xffff, v1  }
0x17d: {  	s14 =	simm.s32 $0x0;
	s0 =	rddreg [dreg:$0x12]  }
0x17e: {  	[hbm4b:s0+s14] =	stream.linear.scatter [tilespmem:s24], [sflag:$0x5], $0x4000, $0x38;
	[tilespmem:$0x1C000] =	vst v63  }
0x17f: {  	_ =	swait.ge [sflag:s30], $0x4000  }
0x180: {  	[sflag:s30] =	ssyncset.done $0x0  }
0x181: {  	s15 =	simm.s32 $0x0;
	s21 =	rddreg [dreg:$0x13];
	[sflag:s30] =	ssyncadd.s32 $0xFFFFC000  }
0x182: {  	[tilespmem:s25], [sflag:$0x1] =	stream.linear.gather [hbm4b:s21+s14], $0x4000, $0x38;
	[tilespmem:$0x1C000] =	vst v63  }
0x183: {  	s22 =	sand.u32 $0x2000, s15;
	s23 =	sand.u32 $0x380, s14;
	_ =	swait.ge [sflag:s6], $0x4000  }
0x184: {  	s8 =	sand.u32 $0x1C00, s14;
	s0 =	sor.u32 s23, s22;
	[sflag:s6] =	ssyncset.done $0x0  }
0x185: {  	s8 =	sor.u32 s8, s0;
	[sflag:s6] =	ssyncadd.s32 $0xFFFFC000  }
0x186: {  	v0 =	vld [tilespmem:s8+$0x8070]  }
0x187: {  	v4 =	vld [tilespmem:s8+$0x8000]  }
0x188: {  	v5 =	vld [tilespmem:s8+$0x8010]  }
0x189: {  	v6 =	vld [tilespmem:s8+$0x8020]  }
0x18a: {  	v2 =	vld [tilespmem:s8+$0x8030]  }
0x18b: {  	v3 =	vld [tilespmem:s8+$0x8040]  }
0x18c: {  	s0 =	sor.u32 $0x18070, s8;
	v1 =	vld [tilespmem:s8+$0x8060]  }
0x18d: {  	[tilespmem:s0+$0x0] =	vst.add.f32.msk $0xffff, v0  }
0x18e: {  	s26 =	sor.u32 $0x18000, s8;
	v0 =	vld [tilespmem:s8+$0x8050]  }
0x18f: {  	s29 =	sor.u32 $0x18010, s8;
	[tilespmem:s26+$0x0] =	vst.add.f32.msk $0xffff, v4  }
0x190: {  	s16 =	simm.s32 $0x0;
	s10 =	sor.u32 $0x18020, s8;
	s12 =	sor.u32 $0x18040, s8;
	[tilespmem:s29+$0x0] =	vst.add.f32.msk $0xffff, v5  }
0x191: {  	s7 =	sor.u32 $0x18050, s8;
	s17 =	sor.u32 $0x18060, s8;
	s0 =	sor.u32 $0x18030, s8;
	[tilespmem:s10+$0x0] =	vst.add.f32.msk $0xffff, v6  }
.LBB2_20:
0x192: {  	s15 =	sadd.s32 $0x80, s15;
	[tilespmem:s0+$0x0] =	vst.add.f32.msk $0xffff, v2;
	s14 =	sadd.s32 $0x10, s14  }
0x193: {  	s16 =	sadd.s32 $0x400, s16;
	s0 =	sand.u32 $0x2000, s15;
	s8 =	sand.u32 $0x380, s14;
	[tilespmem:s12+$0x0] =	vst.add.f32.msk $0xffff, v3  }
0x194: {  	s10 =	sand.u32 $0x1C00, s16;
	p0 =	slt.u32 s15, $0x3F80;
	s0 =	sor.u32 s8, s0;
	[tilespmem:s7+$0x0] =	vst.add.f32.msk $0xffff, v0  }
0x195: {  	s8 =	sor.u32 s10, s0;
	[tilespmem:s17+$0x0] =	vst.add.f32.msk $0xffff, v1  }
0x196: {  	s10 =	sor.u32 $0x18000, s8;
	s13 =	sor.u32 $0x18010, s8;
	s18 =	sor.u32 $0x18020, s8;
	v0 =	vld [tilespmem:s8+$0x8070]  }
0x197: {  	s0 =	sor.u32 $0x18030, s8;
	s12 =	sor.u32 $0x18040, s8;
	s7 =	sor.u32 $0x18050, s8;
	v4 =	vld [tilespmem:s8+$0x8000]  }
0x198: {  	s17 =	sor.u32 $0x18060, s8;
	v5 =	vld [tilespmem:s8+$0x8010]  }
0x199: {  	v6 =	vld [tilespmem:s8+$0x8020]  }
0x19a: {  	s19 =	sor.u32 $0x18070, s8;
	v2 =	vld [tilespmem:s8+$0x8030]  }
0x19b: {  	[tilespmem:s19+$0x0] =	vst.add.f32.msk $0xffff, v0  }
0x19c: {  	v3 =	vld [tilespmem:s8+$0x8040]  }
.Ltmp9:
0x19d: {  	v0 =	vld [tilespmem:s8+$0x8050];
	(pc) =	sbr.rel @p0 .LBB2_20-.Ltmp9, $4  }
0x19e: {  	v1 =	vld [tilespmem:s8+$0x8060]  }
0x19f: {  	[tilespmem:s10+$0x0] =	vst.add.f32.msk $0xffff, v4  }
0x1a0: {  	[tilespmem:s13+$0x0] =	vst.add.f32.msk $0xffff, v5  }
0x1a1: {  	[tilespmem:s18+$0x0] =	vst.add.f32.msk $0xffff, v6  }
0x1a2: {  	[tilespmem:s0+$0x0] =	vst.add.f32.msk $0xffff, v2  }
0x1a3: {  	[tilespmem:s12+$0x0] =	vst.add.f32.msk $0xffff, v3  }
0x1a4: {  	[tilespmem:s7+$0x0] =	vst.add.f32.msk $0xffff, v0  }
0x1a5: {  	[tilespmem:s17+$0x0] =	vst.add.f32.msk $0xffff, v1  }
0x1a6: {  	s14 =	simm.s32 $0x0;
	s15 =	simm.s32 $0x0;
	s0 =	rddreg [dreg:$0x14]  }
0x1a7: {  	[hbm4b:s0+s14] =	stream.linear.scatter [tilespmem:s1], [sflag:$0x6], $0x4000, $0x38;
	[tilespmem:$0x1C000] =	vst v63  }
0x1a8: {  	s22 =	sand.u32 $0x2000, s15;
	s23 =	sand.u32 $0x380, s14;
	_ =	swait.ge [sflag:s31], $0x4000  }
0x1a9: {  	s8 =	sand.u32 $0x1C00, s14;
	s0 =	sor.u32 s23, s22;
	[sflag:s31] =	ssyncset.done $0x0  }
0x1aa: {  	s8 =	sor.u32 s8, s0;
	[sflag:s31] =	ssyncadd.s32 $0xFFFFC000  }
0x1ab: {  	v0 =	vld [tilespmem:s8+$0xC070]  }
0x1ac: {  	v4 =	vld [tilespmem:s8+$0xC000]  }
0x1ad: {  	v5 =	vld [tilespmem:s8+$0xC010]  }
0x1ae: {  	v6 =	vld [tilespmem:s8+$0xC020]  }
0x1af: {  	v2 =	vld [tilespmem:s8+$0xC030]  }
0x1b0: {  	v3 =	vld [tilespmem:s8+$0xC040]  }
0x1b1: {  	s0 =	sor.u32 $0x10070, s8;
	v1 =	vld [tilespmem:s8+$0xC060]  }
0x1b2: {  	[tilespmem:s0+$0x0] =	vst.add.f32.msk $0xffff, v0  }
0x1b3: {  	s26 =	sor.u32 $0x10000, s8;
	v0 =	vld [tilespmem:s8+$0xC050]  }
0x1b4: {  	s29 =	sor.u32 $0x10010, s8;
	[tilespmem:s26+$0x0] =	vst.add.f32.msk $0xffff, v4  }
0x1b5: {  	s16 =	simm.s32 $0x0;
	s10 =	sor.u32 $0x10020, s8;
	s12 =	sor.u32 $0x10040, s8;
	[tilespmem:s29+$0x0] =	vst.add.f32.msk $0xffff, v5  }
0x1b6: {  	s7 =	sor.u32 $0x10050, s8;
	s17 =	sor.u32 $0x10060, s8;
	s0 =	sor.u32 $0x10030, s8;
	[tilespmem:s10+$0x0] =	vst.add.f32.msk $0xffff, v6  }
.LBB2_22:
0x1b7: {  	s15 =	sadd.s32 $0x80, s15;
	[tilespmem:s0+$0x0] =	vst.add.f32.msk $0xffff, v2;
	s14 =	sadd.s32 $0x10, s14  }
0x1b8: {  	s16 =	sadd.s32 $0x400, s16;
	s0 =	sand.u32 $0x2000, s15;
	s8 =	sand.u32 $0x380, s14;
	[tilespmem:s12+$0x0] =	vst.add.f32.msk $0xffff, v3  }
0x1b9: {  	s10 =	sand.u32 $0x1C00, s16;
	p0 =	slt.u32 s15, $0x3F80;
	s0 =	sor.u32 s8, s0;
	[tilespmem:s7+$0x0] =	vst.add.f32.msk $0xffff, v0  }
0x1ba: {  	s8 =	sor.u32 s10, s0;
	[tilespmem:s17+$0x0] =	vst.add.f32.msk $0xffff, v1  }
0x1bb: {  	s10 =	sor.u32 $0x10000, s8;
	s13 =	sor.u32 $0x10010, s8;
	s18 =	sor.u32 $0x10020, s8;
	v0 =	vld [tilespmem:s8+$0xC070]  }
0x1bc: {  	s0 =	sor.u32 $0x10030, s8;
	s12 =	sor.u32 $0x10040, s8;
	s7 =	sor.u32 $0x10050, s8;
	v4 =	vld [tilespmem:s8+$0xC000]  }
0x1bd: {  	s17 =	sor.u32 $0x10060, s8;
	v5 =	vld [tilespmem:s8+$0xC010]  }
0x1be: {  	v6 =	vld [tilespmem:s8+$0xC020]  }
0x1bf: {  	s19 =	sor.u32 $0x10070, s8;
	v2 =	vld [tilespmem:s8+$0xC030]  }
0x1c0: {  	[tilespmem:s19+$0x0] =	vst.add.f32.msk $0xffff, v0  }
0x1c1: {  	v3 =	vld [tilespmem:s8+$0xC040]  }
.Ltmp10:
0x1c2: {  	v0 =	vld [tilespmem:s8+$0xC050];
	(pc) =	sbr.rel @p0 .LBB2_22-.Ltmp10, $4  }
0x1c3: {  	v1 =	vld [tilespmem:s8+$0xC060]  }
0x1c4: {  	[tilespmem:s10+$0x0] =	vst.add.f32.msk $0xffff, v4  }
0x1c5: {  	[tilespmem:s13+$0x0] =	vst.add.f32.msk $0xffff, v5  }
0x1c6: {  	[tilespmem:s18+$0x0] =	vst.add.f32.msk $0xffff, v6  }
0x1c7: {  	[tilespmem:s0+$0x0] =	vst.add.f32.msk $0xffff, v2  }
0x1c8: {  	[tilespmem:s12+$0x0] =	vst.add.f32.msk $0xffff, v3  }
0x1c9: {  	[tilespmem:s7+$0x0] =	vst.add.f32.msk $0xffff, v0  }
0x1ca: {  	[tilespmem:s17+$0x0] =	vst.add.f32.msk $0xffff, v1  }
0x1cb: {  	s0 =	rddreg [dreg:$0x15]  }
0x1cc: {  	[hbm4b:s0+s4] =	stream.linear.scatter [tilespmem:s25], [sflag:$0x4], $0x4000, $0x38;
	[tilespmem:$0x1C000] =	vst v63  }
0x1cd: {  	_ =	swait.ge [sflag:s9], $0x4000  }
0x1ce: {  	[sflag:s9] =	ssyncset.done $0x0  }
0x1cf: {  	[sflag:s9] =	ssyncadd.s32 $0xFFFFC000  }
0x1d0: {  	_ =	swait.ge [sflag:s11], $0x4000  }
0x1d1: {  	[sflag:s11] =	ssyncset.done $0x0  }
0x1d2: {  	[sflag:s11] =	ssyncadd.s32 $0xFFFFC000  }
0x1d3: {  	_ =	swait.ge [sflag:s30], $0x4000  }
0x1d4: {  	s26 =	rddreg [dreg:$0x17]  }
0x1d5: {  	s29 =	rddreg [dreg:$0x16];
	s7 =	sadd.s32 $0x1, s26  }
0x1d6: {  	p0 =	sne.s32 s7, s29  }
.Ltmp11:
0x1d7: {  	_ = 	snop;
	(pc) =	sbr.rel @p0 .LBB2_1-.Ltmp11, $3  }
0x1d8: {  	_ =	sdelay $0x1  }
0x1d9: {  	[sflag:s30] =	ssyncset.done $0x0  }
0x1da: {  	[sflag:s30] =	ssyncadd.s32 $0xFFFFC000  }
0x1db: {  	_ =	sfence.sel $0x180000  }
0x1dc: {  	[bflag:$0x0] =	sbarrier.arrive $0xFFFF  }
0x1dd: {  	_ =	strace $0x90000047  }
0x1de: {  	s0 =	stileid.u32;
	[bflag:$0x2] =	sbarrier.arrive $0xFFFF  }
0x1df: {  	p0 =	sne.s32 s0, $0x0;
	s0 =	rddreg [dreg:$0x3]  }
0x1e0: {  	s0 =	sadd.s32 @!p0 $0x100000, s0  }
0x1e1: {  	[sflag:s0] =	ssyncadd.tile.s32 @!p0 $0x1;
	_ =	shalt  }
.Lfunc_end2:
_tile_overlayer_lowered:
.L_overlay_start_2:
0x1e2: {  	(tag) =	ssettag $0x2  }
0x1e3: {  	s0 =	rddreg [dreg:$0x0];
	s2 =	stileid.u32  }
0x1e4: {  	s1 =	rddreg [dreg:$0x1];
	p0 =	sne.s32 s2, $0x0  }
0x1e5: {  	s3 =	rddreg [dreg:$0x2];
	[bflag:$0x3] =	sbarrier.arrive $0xFFFF;
	s2 =	simm.s32 @!p0 $0x1C0B  }
0x1e6: {  	[timem:s3], [sflag:s2] =	dma.local @!p0 [hbm:s0], s1  }
0x1e7: {  	s0 =	simm.s32 @!p0 $0xB  }
0x1e8: {  	_ =	swait.ge @!p0 [sflag:s0], s1  }
0x1e9: {  	s1 =	ssub.s32 @!p0 $0x0, s1;
	[sflag:s0] =	ssyncset.done @!p0 $0x0  }
0x1ea: {  	[sflag:s0] =	ssyncadd.s32 @!p0 s1  }
0x1eb: {  	[bflag:$0x3] =	sbarrier.arrive $0xFFFF  }
0x1ec: {  	_ =	shalt  }

</sc_bundles>
